<compile_context>
chip_gen: v7x
topology: tpu7x:2x2x1
jax: 0.10.2.dev20260603
libtpu: 0.0.44.dev20260713+nightly
codegen_flags: <defaults>
</compile_context>

<pallas_src>
import functools

import jax
import jax.numpy as jnp
from jax import lax
from jax.experimental import pallas as pl
from jax.experimental.pallas import tpu as pltpu
from jax.experimental.pallas import tpu_sc as plsc

NC = 2
NS = 16
NW = NC * NS
CHUNK = 128


def _emb_lookup(idx, table, n, d):
    rpw = n // NW
    nchunk = rpw // CHUNK
    mesh = plsc.VectorSubcoreMesh(
        core_axis_name="c", subcore_axis_name="s",
        num_cores=NC, num_subcores=NS)

    nbuf = 10
    nround = nchunk // nbuf

    @functools.partial(
        pl.kernel,
        out_type=jax.ShapeDtypeStruct((n, d), jnp.float32),
        mesh=mesh,
        scratch_types=[
            pltpu.VMEM((nchunk, CHUNK), jnp.int32),
            pltpu.VMEM((nbuf, CHUNK, d), jnp.float32),
            pltpu.SemaphoreType.DMA((nbuf,)),
            pltpu.SemaphoreType.DMA((nbuf,)),
        ],
        compiler_params=pltpu.CompilerParams(use_tc_tiling_on_sc=False),
    )
    def emb(idx_hbm, table_hbm, out_hbm, idx_v, rows_v, gsem, ssem):
        wid = lax.axis_index("s") * NC + lax.axis_index("c")
        pltpu.sync_copy(idx_hbm.at[wid], idx_v)
        base = wid * rpw

        def round_body(r, carry):
            c0 = r * nbuf
            for b in range(nbuf):
                @pl.when(r > 0)
                def _drain():
                    pltpu.make_async_copy(
                        rows_v.at[b],
                        out_hbm.at[pl.ds(base, CHUNK)],
                        ssem.at[b],
                    ).wait()
                pltpu.async_copy(
                    table_hbm.at[idx_v.at[c0 + b]], rows_v.at[b], gsem.at[b])
            for b in range(nbuf):
                pltpu.make_async_copy(
                    table_hbm.at[idx_v.at[c0 + b]], rows_v.at[b], gsem.at[b]
                ).wait()
                pltpu.async_copy(
                    rows_v.at[b],
                    out_hbm.at[pl.ds(base + (c0 + b) * CHUNK, CHUNK)],
                    ssem.at[b])
            return carry

        lax.fori_loop(0, nround, round_body, 0)
        for b in range(nbuf):
            pltpu.make_async_copy(
                rows_v.at[b],
                out_hbm.at[pl.ds(base, CHUNK)],
                ssem.at[b],
            ).wait()

    return emb(idx, table)


def kernel(poi_ids, table):
    b, h = poi_ids.shape
    v, d = table.shape
    n = b * h
    idx = poi_ids.reshape(NW, n // (NW * CHUNK), CHUNK).astype(jnp.int32)
    out = _emb_lookup(idx, table, n, d)
    return out.reshape(b, h, d)

# --- scband reference (transcript-rebuilt; emitter-appended) ---
"""Pipeline reference for scband-poiembedding-3556232921362 (READ-ONLY COPY).

The authoritative reference and input builder live on the scoring server;
editing this copy changes nothing except your own understanding.
"""

import jax, jax.numpy as jnp
import numpy as np

NUM_POIS = 1000000
DIM = 64
BATCH = 16384
HIST = 50

def setup_inputs(seed: int = 0) -> dict:
    key = jax.random.key(seed)
    k_idx, k_tab = jax.random.split(key)
    poi_ids = jax.random.randint(k_idx, (BATCH, HIST), 0, NUM_POIS, dtype=jnp.int64 if jax.config.jax_enable_x64 else jnp.int32)
    table = jax.random.normal(k_tab, (NUM_POIS, DIM), dtype=jnp.float32)
    return {"poi_ids": poi_ids, "table": table}

def reference(poi_ids, table):
    # nn.Embedding lookup: gather rows of the table
    poi_emb = jnp.take(table, poi_ids, axis=0)
    return poi_emb

if __name__ == "__main__":
    import jax
    _d = setup_inputs()
    print(jax.jit(kernel)(*tuple(_d.values())))

</pallas_src>

<mosaic_0001>
#map = affine_map<(d0, d1) -> (0, 0, 0)>
#map1 = affine_map<(d0, d1) -> (0, 0)>
module attributes {stable_mosaic.version = 14 : i64} {
  func.func @emb(%arg0: i32, %arg1: i32, %arg2: memref<32x200x128xi32, #tpu.memory_space<hbm>>, %arg3: memref<1000000x64xf32, #tpu.memory_space<hbm>>, %arg4: memref<819200x64xf32, #tpu.memory_space<hbm>>, %arg5: memref<200x128xi32, #tpu.memory_space<vmem>>, %arg6: memref<10x128x64xf32, #tpu.memory_space<vmem>>, %arg7: memref<10x!tpu.dma_semaphore, #tpu.memory_space<semaphore_mem>>, %arg8: memref<10x!tpu.dma_semaphore, #tpu.memory_space<semaphore_mem>>) attributes {dimension_semantics = [#tpu.dimension_semantics<core_parallel>, #tpu.dimension_semantics<subcore_parallel>], iteration_bounds = array<i64: 2, 16>, scalar_prefetch = 0 : i64, scratch_operands = 4 : i64, tpu.core_type = #tpu.core_type<sc_vector_subcore>, window_params = [{transform_indices = #map}, {transform_indices = #map1}, {transform_indices = #map1}]} {
    %mul3A = arith.constant 2 : i32
    %mul3A_0 = arith.muli %arg1, %mul3A : i32
    %add3A = arith.addi %mul3A_0, %arg0 : i32
    "tpu.region"() ({
      %run_scoped3A = tpu.sem_alloc : memref<!tpu.dma_semaphore, #tpu.memory_space<semaphore_mem>>
      %dma_start3A = arith.constant 0 : i32
      %dma_start3A_167 = arith.constant 0 : i32
      %dma_start3A_168 = tpu.memref_slice %arg2[%add3A, %dma_start3A, %dma_start3A_167] : memref<32x200x128xi32, #tpu.memory_space<hbm>> -> memref<1x200x128xi32, #tpu.memory_space<hbm>>
      %dma_start3A_169 = tpu.memref_squeeze %dma_start3A_168 : memref<1x200x128xi32, #tpu.memory_space<hbm>> -> memref<200x128xi32, #tpu.memory_space<hbm>>
      %dma_start3A_170 = arith.constant 0 : i32
      %dma_start3A_171 = arith.constant 0 : i32
      %dma_start3A_172 = tpu.memref_slice %arg2[%add3A, %dma_start3A_170, %dma_start3A_171] : memref<32x200x128xi32, #tpu.memory_space<hbm>> -> memref<1x200x128xi32, #tpu.memory_space<hbm>>
      %dma_start3A_173 = tpu.memref_squeeze %dma_start3A_172 : memref<1x200x128xi32, #tpu.memory_space<hbm>> -> memref<200x128xi32, #tpu.memory_space<hbm>>
      tpu.enqueue_dma source(%dma_start3A_173 : memref<200x128xi32, #tpu.memory_space<hbm>>) target(%arg5 : memref<200x128xi32, #tpu.memory_space<vmem>>) target_semaphore(%run_scoped3A : memref<!tpu.dma_semaphore, #tpu.memory_space<semaphore_mem>>)
      %dma_wait3A_174 = arith.constant 0 : i32
      %dma_wait3A_175 = arith.constant 0 : i32
      %dma_wait3A_176 = tpu.memref_slice %arg2[%add3A, %dma_wait3A_174, %dma_wait3A_175] : memref<32x200x128xi32, #tpu.memory_space<hbm>> -> memref<1x200x128xi32, #tpu.memory_space<hbm>>
      %dma_wait3A_177 = tpu.memref_squeeze %dma_wait3A_176 : memref<1x200x128xi32, #tpu.memory_space<hbm>> -> memref<200x128xi32, #tpu.memory_space<hbm>>
      %dma_wait3A_178 = arith.constant 0 : i32
      %dma_wait3A_179 = arith.constant 0 : i32
      %dma_wait3A_180 = tpu.memref_slice %arg2[%add3A, %dma_wait3A_178, %dma_wait3A_179] : memref<32x200x128xi32, #tpu.memory_space<hbm>> -> memref<1x200x128xi32, #tpu.memory_space<hbm>>
      %dma_wait3A_181 = tpu.memref_squeeze %dma_wait3A_180 : memref<1x200x128xi32, #tpu.memory_space<hbm>> -> memref<200x128xi32, #tpu.memory_space<hbm>>
      tpu.wait_dma2 semaphore(%run_scoped3A : memref<!tpu.dma_semaphore, #tpu.memory_space<semaphore_mem>>) src(%dma_wait3A_181 : memref<200x128xi32, #tpu.memory_space<hbm>>) dst(%arg5 : memref<200x128xi32, #tpu.memory_space<vmem>>)
      tpu.yield
    }) : () -> ()
    %mul3A_1 = arith.constant 25600 : i32
    %mul3A_2 = arith.muli %add3A, %mul3A_1 : i32
    %scan3A = arith.constant 0 : i32
    %scan3A_3 = arith.constant 0 : i32
    %scan3A_4 = arith.constant 20 : i32
    %scan3A_5 = arith.addi %scan3A_3, %scan3A_4 : i32
    %scan3A_6 = arith.constant 1 : i32
    scf.for %scan3A_167 = %scan3A_3 to %scan3A_5 step %scan3A_6  : i32 {
      %mul3A_168 = arith.constant 10 : i32
      %mul3A_169 = arith.muli %scan3A_167, %mul3A_168 : i32
      %gt3A = arith.constant 0 : i32
      %gt3A_170 = arith.cmpi sgt, %scan3A_167, %gt3A : i32
      %convert_element_type3A = arith.extui %gt3A_170 : i1 to i32
      %cond3A = arith.constant 0 : i32
      %cond3A_171 = arith.cmpi ne, %convert_element_type3A, %cond3A : i32
      scf.if %cond3A_171 {
        %dma_wait3A_746 = arith.constant 0 : i32
        %dma_wait3A_747 = arith.constant 0 : i32
        %dma_wait3A_748 = arith.constant 0 : i32
        %dma_wait3A_749 = arith.constant 0 : i32
        %dma_wait3A_750 = tpu.memref_slice %arg6[%dma_wait3A_746, %dma_wait3A_748, %dma_wait3A_749] : memref<10x128x64xf32, #tpu.memory_space<vmem>> -> memref<1x128x64xf32, #tpu.memory_space<vmem>>
        %dma_wait3A_751 = tpu.memref_squeeze %dma_wait3A_750 : memref<1x128x64xf32, #tpu.memory_space<vmem>> -> memref<128x64xf32, #tpu.memory_space<vmem>>
        %dma_wait3A_752 = arith.constant 0 : i32
        %dma_wait3A_753 = tpu.memref_slice %arg4[%mul3A_2, %dma_wait3A_752] : memref<819200x64xf32, #tpu.memory_space<hbm>> -> memref<128x64xf32, #tpu.memory_space<hbm>>
        %dma_wait3A_754 = tpu.memref_slice %arg8[%dma_wait3A_747] : memref<10x!tpu.dma_semaphore, #tpu.memory_space<semaphore_mem>> -> memref<1x!tpu.dma_semaphore, #tpu.memory_space<semaphore_mem>>
        %dma_wait3A_755 = tpu.memref_squeeze %dma_wait3A_754 : memref<1x!tpu.dma_semaphore, #tpu.memory_space<semaphore_mem>> -> memref<!tpu.dma_semaphore, #tpu.memory_space<semaphore_mem>>
        %dma_wait3A_756 = arith.constant 0 : i32
        %dma_wait3A_757 = tpu.memref_slice %arg4[%mul3A_2, %dma_wait3A_756] : memref<819200x64xf32, #tpu.memory_space<hbm>> -> memref<128x64xf32, #tpu.memory_space<hbm>>
        %dma_wait3A_758 = arith.constant 0 : i32
        %dma_wait3A_759 = arith.constant 0 : i32
        %dma_wait3A_760 = tpu.memref_slice %arg6[%dma_wait3A_746, %dma_wait3A_758, %dma_wait3A_759] : memref<10x128x64xf32, #tpu.memory_space<vmem>> -> memref<1x128x64xf32, #tpu.memory_space<vmem>>
        %dma_wait3A_761 = tpu.memref_squeeze %dma_wait3A_760 : memref<1x128x64xf32, #tpu.memory_space<vmem>> -> memref<128x64xf32, #tpu.memory_space<vmem>>
        tpu.wait_dma2 semaphore(%dma_wait3A_755 : memref<!tpu.dma_semaphore, #tpu.memory_space<semaphore_mem>>) src(%dma_wait3A_761 : memref<128x64xf32, #tpu.memory_space<vmem>>) dst(%dma_wait3A_757 : memref<128x64xf32, #tpu.memory_space<hbm>>)
      } else {
      }
      %add3A_172 = arith.constant 0 : i32
      %add3A_173 = arith.addi %mul3A_169, %add3A_172 : i32
      %dma_start3A = arith.constant 0 : i32
      %dma_start3A_174 = arith.constant 0 : i32
      %dma_start3A_175 = arith.constant 0 : i32
      %dma_start3A_176 = arith.constant 0 : i32
      %dma_start3A_177 = tpu.memref_slice %arg6[%dma_start3A, %dma_start3A_175, %dma_start3A_176] : memref<10x128x64xf32, #tpu.memory_space<vmem>> -> memref<1x128x64xf32, #tpu.memory_space<vmem>>
      %dma_start3A_178 = tpu.memref_squeeze %dma_start3A_177 : memref<1x128x64xf32, #tpu.memory_space<vmem>> -> memref<128x64xf32, #tpu.memory_space<vmem>>
      %dma_start3A_179 = arith.constant 0 : i32
      %dma_start3A_180 = tpu.memref_slice %arg5[%add3A_173, %dma_start3A_179] : memref<200x128xi32, #tpu.memory_space<vmem>> -> memref<1x128xi32, #tpu.memory_space<vmem>>
      %dma_start3A_181 = tpu.memref_squeeze %dma_start3A_180 : memref<1x128xi32, #tpu.memory_space<vmem>> -> memref<128xi32, #tpu.memory_space<vmem>>
      %dma_start3A_182 = arith.constant 0 : i32
      %dma_start3A_183 = arith.constant 0 : i32
      %dma_start3A_184 = tpu.memref_slice %arg3[%dma_start3A_182, %dma_start3A_183] : memref<1000000x64xf32, #tpu.memory_space<hbm>> -> memref<1000000x64xf32, #tpu.memory_space<hbm>>
      %dma_start3A_185 = tpu.memref_slice %arg7[%dma_start3A_174] : memref<10x!tpu.dma_semaphore, #tpu.memory_space<semaphore_mem>> -> memref<1x!tpu.dma_semaphore, #tpu.memory_space<semaphore_mem>>
      %dma_start3A_186 = tpu.memref_squeeze %dma_start3A_185 : memref<1x!tpu.dma_semaphore, #tpu.memory_space<semaphore_mem>> -> memref<!tpu.dma_semaphore, #tpu.memory_space<semaphore_mem>>
      tpu.enqueue_indirect_dma source(%dma_start3A_184 : memref<1000000x64xf32, #tpu.memory_space<hbm>>) target(%dma_start3A_178 : memref<128x64xf32, #tpu.memory_space<vmem>>) offsets(%dma_start3A_181 : memref<128xi32, #tpu.memory_space<vmem>>) semaphore(%dma_start3A_186 : memref<!tpu.dma_semaphore, #tpu.memory_space<semaphore_mem>>)
      %gt3A_187 = arith.constant 0 : i32
      %gt3A_188 = arith.cmpi sgt, %scan3A_167, %gt3A_187 : i32
      %convert_element_type3A_189 = arith.extui %gt3A_188 : i1 to i32
      %cond3A_190 = arith.constant 0 : i32
      %cond3A_191 = arith.cmpi ne, %convert_element_type3A_189, %cond3A_190 : i32
      scf.if %cond3A_191 {
        %dma_wait3A_746 = arith.constant 1 : i32
        %dma_wait3A_747 = arith.constant 1 : i32
        %dma_wait3A_748 = arith.constant 0 : i32
        %dma_wait3A_749 = arith.constant 0 : i32
        %dma_wait3A_750 = tpu.memref_slice %arg6[%dma_wait3A_746, %dma_wait3A_748, %dma_wait3A_749] : memref<10x128x64xf32, #tpu.memory_space<vmem>> -> memref<1x128x64xf32, #tpu.memory_space<vmem>>
        %dma_wait3A_751 = tpu.memref_squeeze %dma_wait3A_750 : memref<1x128x64xf32, #tpu.memory_space<vmem>> -> memref<128x64xf32, #tpu.memory_space<vmem>>
        %dma_wait3A_752 = arith.constant 0 : i32
        %dma_wait3A_753 = tpu.memref_slice %arg4[%mul3A_2, %dma_wait3A_752] : memref<819200x64xf32, #tpu.memory_space<hbm>> -> memref<128x64xf32, #tpu.memory_space<hbm>>
        %dma_wait3A_754 = tpu.memref_slice %arg8[%dma_wait3A_747] : memref<10x!tpu.dma_semaphore, #tpu.memory_space<semaphore_mem>> -> memref<1x!tpu.dma_semaphore, #tpu.memory_space<semaphore_mem>>
        %dma_wait3A_755 = tpu.memref_squeeze %dma_wait3A_754 : memref<1x!tpu.dma_semaphore, #tpu.memory_space<semaphore_mem>> -> memref<!tpu.dma_semaphore, #tpu.memory_space<semaphore_mem>>
        %dma_wait3A_756 = arith.constant 0 : i32
        %dma_wait3A_757 = tpu.memref_slice %arg4[%mul3A_2, %dma_wait3A_756] : memref<819200x64xf32, #tpu.memory_space<hbm>> -> memref<128x64xf32, #tpu.memory_space<hbm>>
        %dma_wait3A_758 = arith.constant 0 : i32
        %dma_wait3A_759 = arith.constant 0 : i32
        %dma_wait3A_760 = tpu.memref_slice %arg6[%dma_wait3A_746, %dma_wait3A_758, %dma_wait3A_759] : memref<10x128x64xf32, #tpu.memory_space<vmem>> -> memref<1x128x64xf32, #tpu.memory_space<vmem>>
        %dma_wait3A_761 = tpu.memref_squeeze %dma_wait3A_760 : memref<1x128x64xf32, #tpu.memory_space<vmem>> -> memref<128x64xf32, #tpu.memory_space<vmem>>
        tpu.wait_dma2 semaphore(%dma_wait3A_755 : memref<!tpu.dma_semaphore, #tpu.memory_space<semaphore_mem>>) src(%dma_wait3A_761 : memref<128x64xf32, #tpu.memory_space<vmem>>) dst(%dma_wait3A_757 : memref<128x64xf32, #tpu.memory_space<hbm>>)
      } else {
      }
      %add3A_192 = arith.constant 1 : i32
      %add3A_193 = arith.addi %mul3A_169, %add3A_192 : i32
      %dma_start3A_194 = arith.constant 1 : i32
      %dma_start3A_195 = arith.constant 1 : i32
      %dma_start3A_196 = arith.constant 0 : i32
      %dma_start3A_197 = arith.constant 0 : i32
      %dma_start3A_198 = tpu.memref_slice %arg6[%dma_start3A_194, %dma_start3A_196, %dma_start3A_197] : memref<10x128x64xf32, #tpu.memory_space<vmem>> -> memref<1x128x64xf32, #tpu.memory_space<vmem>>
      %dma_start3A_199 = tpu.memref_squeeze %dma_start3A_198 : memref<1x128x64xf32, #tpu.memory_space<vmem>> -> memref<128x64xf32, #tpu.memory_space<vmem>>
      %dma_start3A_200 = arith.constant 0 : i32
      %dma_start3A_201 = tpu.memref_slice %arg5[%add3A_193, %dma_start3A_200] : memref<200x128xi32, #tpu.memory_space<vmem>> -> memref<1x128xi32, #tpu.memory_space<vmem>>
      %dma_start3A_202 = tpu.memref_squeeze %dma_start3A_201 : memref<1x128xi32, #tpu.memory_space<vmem>> -> memref<128xi32, #tpu.memory_space<vmem>>
      %dma_start3A_203 = arith.constant 0 : i32
      %dma_start3A_204 = arith.constant 0 : i32
      %dma_start3A_205 = tpu.memref_slice %arg3[%dma_start3A_203, %dma_start3A_204] : memref<1000000x64xf32, #tpu.memory_space<hbm>> -> memref<1000000x64xf32, #tpu.memory_space<hbm>>
      %dma_start3A_206 = tpu.memref_slice %arg7[%dma_start3A_195] : memref<10x!tpu.dma_semaphore, #tpu.memory_space<semaphore_mem>> -> memref<1x!tpu.dma_semaphore, #tpu.memory_space<semaphore_mem>>
      %dma_start3A_207 = tpu.memref_squeeze %dma_start3A_206 : memref<1x!tpu.dma_semaphore, #tpu.memory_space<semaphore_mem>> -> memref<!tpu.dma_semaphore, #tpu.memory_space<semaphore_mem>>
      tpu.enqueue_indirect_dma source(%dma_start3A_205 : memref<1000000x64xf32, #tpu.memory_space<hbm>>) target(%dma_start3A_199 : memref<128x64xf32, #tpu.memory_space<vmem>>) offsets(%dma_start3A_202 : memref<128xi32, #tpu.memory_space<vmem>>) semaphore(%dma_start3A_207 : memref<!tpu.dma_semaphore, #tpu.memory_space<semaphore_mem>>)
      %gt3A_208 = arith.constant 0 : i32
      %gt3A_209 = arith.cmpi sgt, %scan3A_167, %gt3A_208 : i32
      %convert_element_type3A_210 = arith.extui %gt3A_209 : i1 to i32
      %cond3A_211 = arith.constant 0 : i32
      %cond3A_212 = arith.cmpi ne, %convert_element_type3A_210, %cond3A_211 : i32
      scf.if %cond3A_212 {
        %dma_wait3A_746 = arith.constant 2 : i32
        %dma_wait3A_747 = arith.constant 2 : i32
        %dma_wait3A_748 = arith.constant 0 : i32
        %dma_wait3A_749 = arith.constant 0 : i32
        %dma_wait3A_750 = tpu.memref_slice %arg6[%dma_wait3A_746, %dma_wait3A_748, %dma_wait3A_749] : memref<10x128x64xf32, #tpu.memory_space<vmem>> -> memref<1x128x64xf32, #tpu.memory_space<vmem>>
        %dma_wait3A_751 = tpu.memref_squeeze %dma_wait3A_750 : memref<1x128x64xf32, #tpu.memory_space<vmem>> -> memref<128x64xf32, #tpu.memory_space<vmem>>
        %dma_wait3A_752 = arith.constant 0 : i32
        %dma_wait3A_753 = tpu.memref_slice %arg4[%mul3A_2, %dma_wait3A_752] : memref<819200x64xf32, #tpu.memory_space<hbm>> -> memref<128x64xf32, #tpu.memory_space<hbm>>
        %dma_wait3A_754 = tpu.memref_slice %arg8[%dma_wait3A_747] : memref<10x!tpu.dma_semaphore, #tpu.memory_space<semaphore_mem>> -> memref<1x!tpu.dma_semaphore, #tpu.memory_space<semaphore_mem>>
        %dma_wait3A_755 = tpu.memref_squeeze %dma_wait3A_754 : memref<1x!tpu.dma_semaphore, #tpu.memory_space<semaphore_mem>> -> memref<!tpu.dma_semaphore, #tpu.memory_space<semaphore_mem>>
        %dma_wait3A_756 = arith.constant 0 : i32
        %dma_wait3A_757 = tpu.memref_slice %arg4[%mul3A_2, %dma_wait3A_756] : memref<819200x64xf32, #tpu.memory_space<hbm>> -> memref<128x64xf32, #tpu.memory_space<hbm>>
        %dma_wait3A_758 = arith.constant 0 : i32
        %dma_wait3A_759 = arith.constant 0 : i32
        %dma_wait3A_760 = tpu.memref_slice %arg6[%dma_wait3A_746, %dma_wait3A_758, %dma_wait3A_759] : memref<10x128x64xf32, #tpu.memory_space<vmem>> -> memref<1x128x64xf32, #tpu.memory_space<vmem>>
        %dma_wait3A_761 = tpu.memref_squeeze %dma_wait3A_760 : memref<1x128x64xf32, #tpu.memory_space<vmem>> -> memref<128x64xf32, #tpu.memory_space<vmem>>
        tpu.wait_dma2 semaphore(%dma_wait3A_755 : memref<!tpu.dma_semaphore, #tpu.memory_space<semaphore_mem>>) src(%dma_wait3A_761 : memref<128x64xf32, #tpu.memory_space<vmem>>) dst(%dma_wait3A_757 : memref<128x64xf32, #tpu.memory_space<hbm>>)
      } else {
      }
      %add3A_213 = arith.constant 2 : i32
      %add3A_214 = arith.addi %mul3A_169, %add3A_213 : i32
      %dma_start3A_215 = arith.constant 2 : i32
      %dma_start3A_216 = arith.constant 2 : i32
      %dma_start3A_217 = arith.constant 0 : i32
      %dma_start3A_218 = arith.constant 0 : i32
      %dma_start3A_219 = tpu.memref_slice %arg6[%dma_start3A_215, %dma_start3A_217, %dma_start3A_218] : memref<10x128x64xf32, #tpu.memory_space<vmem>> -> memref<1x128x64xf32, #tpu.memory_space<vmem>>
      %dma_start3A_220 = tpu.memref_squeeze %dma_start3A_219 : memref<1x128x64xf32, #tpu.memory_space<vmem>> -> memref<128x64xf32, #tpu.memory_space<vmem>>
      %dma_start3A_221 = arith.constant 0 : i32
      %dma_start3A_222 = tpu.memref_slice %arg5[%add3A_214, %dma_start3A_221] : memref<200x128xi32, #tpu.memory_space<vmem>> -> memref<1x128xi32, #tpu.memory_space<vmem>>
      %dma_start3A_223 = tpu.memref_squeeze %dma_start3A_222 : memref<1x128xi32, #tpu.memory_space<vmem>> -> memref<128xi32, #tpu.memory_space<vmem>>
      %dma_start3A_224 = arith.constant 0 : i32
      %dma_start3A_225 = arith.constant 0 : i32
      %dma_start3A_226 = tpu.memref_slice %arg3[%dma_start3A_224, %dma_start3A_225] : memref<1000000x64xf32, #tpu.memory_space<hbm>> -> memref<1000000x64xf32, #tpu.memory_space<hbm>>
      %dma_start3A_227 = tpu.memref_slice %arg7[%dma_start3A_216] : memref<10x!tpu.dma_semaphore, #tpu.memory_space<semaphore_mem>> -> memref<1x!tpu.dma_semaphore, #tpu.memory_space<semaphore_mem>>
      %dma_start3A_228 = tpu.memref_squeeze %dma_start3A_227 : memref<1x!tpu.dma_semaphore, #tpu.memory_space<semaphore_mem>> -> memref<!tpu.dma_semaphore, #tpu.memory_space<semaphore_mem>>
      tpu.enqueue_indirect_dma source(%dma_start3A_226 : memref<1000000x64xf32, #tpu.memory_space<hbm>>) target(%dma_start3A_220 : memref<128x64xf32, #tpu.memory_space<vmem>>) offsets(%dma_start3A_223 : memref<128xi32, #tpu.memory_space<vmem>>) semaphore(%dma_start3A_228 : memref<!tpu.dma_semaphore, #tpu.memory_space<semaphore_mem>>)
      %gt3A_229 = arith.constant 0 : i32
      %gt3A_230 = arith.cmpi sgt, %scan3A_167, %gt3A_229 : i32
      %convert_element_type3A_231 = arith.extui %gt3A_230 : i1 to i32
      %cond3A_232 = arith.constant 0 : i32
      %cond3A_233 = arith.cmpi ne, %convert_element_type3A_231, %cond3A_232 : i32
      scf.if %cond3A_233 {
        %dma_wait3A_746 = arith.constant 3 : i32
        %dma_wait3A_747 = arith.constant 3 : i32
        %dma_wait3A_748 = arith.constant 0 : i32
        %dma_wait3A_749 = arith.constant 0 : i32
        %dma_wait3A_750 = tpu.memref_slice %arg6[%dma_wait3A_746, %dma_wait3A_748, %dma_wait3A_749] : memref<10x128x64xf32, #tpu.memory_space<vmem>> -> memref<1x128x64xf32, #tpu.memory_space<vmem>>
        %dma_wait3A_751 = tpu.memref_squeeze %dma_wait3A_750 : memref<1x128x64xf32, #tpu.memory_space<vmem>> -> memref<128x64xf32, #tpu.memory_space<vmem>>
        %dma_wait3A_752 = arith.constant 0 : i32
        %dma_wait3A_753 = tpu.memref_slice %arg4[%mul3A_2, %dma_wait3A_752] : memref<819200x64xf32, #tpu.memory_space<hbm>> -> memref<128x64xf32, #tpu.memory_space<hbm>>
        %dma_wait3A_754 = tpu.memref_slice %arg8[%dma_wait3A_747] : memref<10x!tpu.dma_semaphore, #tpu.memory_space<semaphore_mem>> -> memref<1x!tpu.dma_semaphore, #tpu.memory_space<semaphore_mem>>
        %dma_wait3A_755 = tpu.memref_squeeze %dma_wait3A_754 : memref<1x!tpu.dma_semaphore, #tpu.memory_space<semaphore_mem>> -> memref<!tpu.dma_semaphore, #tpu.memory_space<semaphore_mem>>
        %dma_wait3A_756 = arith.constant 0 : i32
        %dma_wait3A_757 = tpu.memref_slice %arg4[%mul3A_2, %dma_wait3A_756] : memref<819200x64xf32, #tpu.memory_space<hbm>> -> memref<128x64xf32, #tpu.memory_space<hbm>>
        %dma_wait3A_758 = arith.constant 0 : i32
        %dma_wait3A_759 = arith.constant 0 : i32
        %dma_wait3A_760 = tpu.memref_slice %arg6[%dma_wait3A_746, %dma_wait3A_758, %dma_wait3A_759] : memref<10x128x64xf32, #tpu.memory_space<vmem>> -> memref<1x128x64xf32, #tpu.memory_space<vmem>>
        %dma_wait3A_761 = tpu.memref_squeeze %dma_wait3A_760 : memref<1x128x64xf32, #tpu.memory_space<vmem>> -> memref<128x64xf32, #tpu.memory_space<vmem>>
        tpu.wait_dma2 semaphore(%dma_wait3A_755 : memref<!tpu.dma_semaphore, #tpu.memory_space<semaphore_mem>>) src(%dma_wait3A_761 : memref<128x64xf32, #tpu.memory_space<vmem>>) dst(%dma_wait3A_757 : memref<128x64xf32, #tpu.memory_space<hbm>>)
      } else {
      }
      %add3A_234 = arith.constant 3 : i32
      %add3A_235 = arith.addi %mul3A_169, %add3A_234 : i32
      %dma_start3A_236 = arith.constant 3 : i32
      %dma_start3A_237 = arith.constant 3 : i32
      %dma_start3A_238 = arith.constant 0 : i32
      %dma_start3A_239 = arith.constant 0 : i32
      %dma_start3A_240 = tpu.memref_slice %arg6[%dma_start3A_236, %dma_start3A_238, %dma_start3A_239] : memref<10x128x64xf32, #tpu.memory_space<vmem>> -> memref<1x128x64xf32, #tpu.memory_space<vmem>>
      %dma_start3A_241 = tpu.memref_squeeze %dma_start3A_240 : memref<1x128x64xf32, #tpu.memory_space<vmem>> -> memref<128x64xf32, #tpu.memory_space<vmem>>
      %dma_start3A_242 = arith.constant 0 : i32
      %dma_start3A_243 = tpu.memref_slice %arg5[%add3A_235, %dma_start3A_242] : memref<200x128xi32, #tpu.memory_space<vmem>> -> memref<1x128xi32, #tpu.memory_space<vmem>>
      %dma_start3A_244 = tpu.memref_squeeze %dma_start3A_243 : memref<1x128xi32, #tpu.memory_space<vmem>> -> memref<128xi32, #tpu.memory_space<vmem>>
      %dma_start3A_245 = arith.constant 0 : i32
      %dma_start3A_246 = arith.constant 0 : i32
      %dma_start3A_247 = tpu.memref_slice %arg3[%dma_start3A_245, %dma_start3A_246] : memref<1000000x64xf32, #tpu.memory_space<hbm>> -> memref<1000000x64xf32, #tpu.memory_space<hbm>>
      %dma_start3A_248 = tpu.memref_slice %arg7[%dma_start3A_237] : memref<10x!tpu.dma_semaphore, #tpu.memory_space<semaphore_mem>> -> memref<1x!tpu.dma_semaphore, #tpu.memory_space<semaphore_mem>>
      %dma_start3A_249 = tpu.memref_squeeze %dma_start3A_248 : memref<1x!tpu.dma_semaphore, #tpu.memory_space<semaphore_mem>> -> memref<!tpu.dma_semaphore, #tpu.memory_space<semaphore_mem>>
      tpu.enqueue_indirect_dma source(%dma_start3A_247 : memref<1000000x64xf32, #tpu.memory_space<hbm>>) target(%dma_start3A_241 : memref<128x64xf32, #tpu.memory_space<vmem>>) offsets(%dma_start3A_244 : memref<128xi32, #tpu.memory_space<vmem>>) semaphore(%dma_start3A_249 : memref<!tpu.dma_semaphore, #tpu.memory_space<semaphore_mem>>)
      %gt3A_250 = arith.constant 0 : i32
      %gt3A_251 = arith.cmpi sgt, %scan3A_167, %gt3A_250 : i32
      %convert_element_type3A_252 = arith.extui %gt3A_251 : i1 to i32
      %cond3A_253 = arith.constant 0 : i32
      %cond3A_254 = arith.cmpi ne, %convert_element_type3A_252, %cond3A_253 : i32
      scf.if %cond3A_254 {
        %dma_wait3A_746 = arith.constant 4 : i32
        %dma_wait3A_747 = arith.constant 4 : i32
        %dma_wait3A_748 = arith.constant 0 : i32
        %dma_wait3A_749 = arith.constant 0 : i32
        %dma_wait3A_750 = tpu.memref_slice %arg6[%dma_wait3A_746, %dma_wait3A_748, %dma_wait3A_749] : memref<10x128x64xf32, #tpu.memory_space<vmem>> -> memref<1x128x64xf32, #tpu.memory_space<vmem>>
        %dma_wait3A_751 = tpu.memref_squeeze %dma_wait3A_750 : memref<1x128x64xf32, #tpu.memory_space<vmem>> -> memref<128x64xf32, #tpu.memory_space<vmem>>
        %dma_wait3A_752 = arith.constant 0 : i32
        %dma_wait3A_753 = tpu.memref_slice %arg4[%mul3A_2, %dma_wait3A_752] : memref<819200x64xf32, #tpu.memory_space<hbm>> -> memref<128x64xf32, #tpu.memory_space<hbm>>
        %dma_wait3A_754 = tpu.memref_slice %arg8[%dma_wait3A_747] : memref<10x!tpu.dma_semaphore, #tpu.memory_space<semaphore_mem>> -> memref<1x!tpu.dma_semaphore, #tpu.memory_space<semaphore_mem>>
        %dma_wait3A_755 = tpu.memref_squeeze %dma_wait3A_754 : memref<1x!tpu.dma_semaphore, #tpu.memory_space<semaphore_mem>> -> memref<!tpu.dma_semaphore, #tpu.memory_space<semaphore_mem>>
        %dma_wait3A_756 = arith.constant 0 : i32
        %dma_wait3A_757 = tpu.memref_slice %arg4[%mul3A_2, %dma_wait3A_756] : memref<819200x64xf32, #tpu.memory_space<hbm>> -> memref<128x64xf32, #tpu.memory_space<hbm>>
        %dma_wait3A_758 = arith.constant 0 : i32
        %dma_wait3A_759 = arith.constant 0 : i32
        %dma_wait3A_760 = tpu.memref_slice %arg6[%dma_wait3A_746, %dma_wait3A_758, %dma_wait3A_759] : memref<10x128x64xf32, #tpu.memory_space<vmem>> -> memref<1x128x64xf32, #tpu.memory_space<vmem>>
        %dma_wait3A_761 = tpu.memref_squeeze %dma_wait3A_760 : memref<1x128x64xf32, #tpu.memory_space<vmem>> -> memref<128x64xf32, #tpu.memory_space<vmem>>
        tpu.wait_dma2 semaphore(%dma_wait3A_755 : memref<!tpu.dma_semaphore, #tpu.memory_space<semaphore_mem>>) src(%dma_wait3A_761 : memref<128x64xf32, #tpu.memory_space<vmem>>) dst(%dma_wait3A_757 : memref<128x64xf32, #tpu.memory_space<hbm>>)
      } else {
      }
      %add3A_255 = arith.constant 4 : i32
      %add3A_256 = arith.addi %mul3A_169, %add3A_255 : i32
      %dma_start3A_257 = arith.constant 4 : i32
      %dma_start3A_258 = arith.constant 4 : i32
      %dma_start3A_259 = arith.constant 0 : i32
      %dma_start3A_260 = arith.constant 0 : i32
      %dma_start3A_261 = tpu.memref_slice %arg6[%dma_start3A_257, %dma_start3A_259, %dma_start3A_260] : memref<10x128x64xf32, #tpu.memory_space<vmem>> -> memref<1x128x64xf32, #tpu.memory_space<vmem>>
      %dma_start3A_262 = tpu.memref_squeeze %dma_start3A_261 : memref<1x128x64xf32, #tpu.memory_space<vmem>> -> memref<128x64xf32, #tpu.memory_space<vmem>>
      %dma_start3A_263 = arith.constant 0 : i32
      %dma_start3A_264 = tpu.memref_slice %arg5[%add3A_256, %dma_start3A_263] : memref<200x128xi32, #tpu.memory_space<vmem>> -> memref<1x128xi32, #tpu.memory_space<vmem>>
      %dma_start3A_265 = tpu.memref_squeeze %dma_start3A_264 : memref<1x128xi32, #tpu.memory_space<vmem>> -> memref<128xi32, #tpu.memory_space<vmem>>
      %dma_start3A_266 = arith.constant 0 : i32
      %dma_start3A_267 = arith.constant 0 : i32
      %dma_start3A_268 = tpu.memref_slice %arg3[%dma_start3A_266, %dma_start3A_267] : memref<1000000x64xf32, #tpu.memory_space<hbm>> -> memref<1000000x64xf32, #tpu.memory_space<hbm>>
      %dma_start3A_269 = tpu.memref_slice %arg7[%dma_start3A_258] : memref<10x!tpu.dma_semaphore, #tpu.memory_space<semaphore_mem>> -> memref<1x!tpu.dma_semaphore, #tpu.memory_space<semaphore_mem>>
      %dma_start3A_270 = tpu.memref_squeeze %dma_start3A_269 : memref<1x!tpu.dma_semaphore, #tpu.memory_space<semaphore_mem>> -> memref<!tpu.dma_semaphore, #tpu.memory_space<semaphore_mem>>
      tpu.enqueue_indirect_dma source(%dma_start3A_268 : memref<1000000x64xf32, #tpu.memory_space<hbm>>) target(%dma_start3A_262 : memref<128x64xf32, #tpu.memory_space<vmem>>) offsets(%dma_start3A_265 : memref<128xi32, #tpu.memory_space<vmem>>) semaphore(%dma_start3A_270 : memref<!tpu.dma_semaphore, #tpu.memory_space<semaphore_mem>>)
      %gt3A_271 = arith.constant 0 : i32
      %gt3A_272 = arith.cmpi sgt, %scan3A_167, %gt3A_271 : i32
      %convert_element_type3A_273 = arith.extui %gt3A_272 : i1 to i32
      %cond3A_274 = arith.constant 0 : i32
      %cond3A_275 = arith.cmpi ne, %convert_element_type3A_273, %cond3A_274 : i32
      scf.if %cond3A_275 {
        %dma_wait3A_746 = arith.constant 5 : i32
        %dma_wait3A_747 = arith.constant 5 : i32
        %dma_wait3A_748 = arith.constant 0 : i32
        %dma_wait3A_749 = arith.constant 0 : i32
        %dma_wait3A_750 = tpu.memref_slice %arg6[%dma_wait3A_746, %dma_wait3A_748, %dma_wait3A_749] : memref<10x128x64xf32, #tpu.memory_space<vmem>> -> memref<1x128x64xf32, #tpu.memory_space<vmem>>
        %dma_wait3A_751 = tpu.memref_squeeze %dma_wait3A_750 : memref<1x128x64xf32, #tpu.memory_space<vmem>> -> memref<128x64xf32, #tpu.memory_space<vmem>>
        %dma_wait3A_752 = arith.constant 0 : i32
        %dma_wait3A_753 = tpu.memref_slice %arg4[%mul3A_2, %dma_wait3A_752] : memref<819200x64xf32, #tpu.memory_space<hbm>> -> memref<128x64xf32, #tpu.memory_space<hbm>>
        %dma_wait3A_754 = tpu.memref_slice %arg8[%dma_wait3A_747] : memref<10x!tpu.dma_semaphore, #tpu.memory_space<semaphore_mem>> -> memref<1x!tpu.dma_semaphore, #tpu.memory_space<semaphore_mem>>
        %dma_wait3A_755 = tpu.memref_squeeze %dma_wait3A_754 : memref<1x!tpu.dma_semaphore, #tpu.memory_space<semaphore_mem>> -> memref<!tpu.dma_semaphore, #tpu.memory_space<semaphore_mem>>
        %dma_wait3A_756 = arith.constant 0 : i32
        %dma_wait3A_757 = tpu.memref_slice %arg4[%mul3A_2, %dma_wait3A_756] : memref<819200x64xf32, #tpu.memory_space<hbm>> -> memref<128x64xf32, #tpu.memory_space<hbm>>
        %dma_wait3A_758 = arith.constant 0 : i32
        %dma_wait3A_759 = arith.constant 0 : i32
        %dma_wait3A_760 = tpu.memref_slice %arg6[%dma_wait3A_746, %dma_wait3A_758, %dma_wait3A_759] : memref<10x128x64xf32, #tpu.memory_space<vmem>> -> memref<1x128x64xf32, #tpu.memory_space<vmem>>
        %dma_wait3A_761 = tpu.memref_squeeze %dma_wait3A_760 : memref<1x128x64xf32, #tpu.memory_space<vmem>> -> memref<128x64xf32, #tpu.memory_space<vmem>>
        tpu.wait_dma2 semaphore(%dma_wait3A_755 : memref<!tpu.dma_semaphore, #tpu.memory_space<semaphore_mem>>) src(%dma_wait3A_761 : memref<128x64xf32, #tpu.memory_space<vmem>>) dst(%dma_wait3A_757 : memref<128x64xf32, #tpu.memory_space<hbm>>)
      } else {
      }
      %add3A_276 = arith.constant 5 : i32
      %add3A_277 = arith.addi %mul3A_169, %add3A_276 : i32
      %dma_start3A_278 = arith.constant 5 : i32
      %dma_start3A_279 = arith.constant 5 : i32
      %dma_start3A_280 = arith.constant 0 : i32
      %dma_start3A_281 = arith.constant 0 : i32
      %dma_start3A_282 = tpu.memref_slice %arg6[%dma_start3A_278, %dma_start3A_280, %dma_start3A_281] : memref<10x128x64xf32, #tpu.memory_space<vmem>> -> memref<1x128x64xf32, #tpu.memory_space<vmem>>
      %dma_start3A_283 = tpu.memref_squeeze %dma_start3A_282 : memref<1x128x64xf32, #tpu.memory_space<vmem>> -> memref<128x64xf32, #tpu.memory_space<vmem>>
      %dma_start3A_284 = arith.constant 0 : i32
      %dma_start3A_285 = tpu.memref_slice %arg5[%add3A_277, %dma_start3A_284] : memref<200x128xi32, #tpu.memory_space<vmem>> -> memref<1x128xi32, #tpu.memory_space<vmem>>
      %dma_start3A_286 = tpu.memref_squeeze %dma_start3A_285 : memref<1x128xi32, #tpu.memory_space<vmem>> -> memref<128xi32, #tpu.memory_space<vmem>>
      %dma_start3A_287 = arith.constant 0 : i32
      %dma_start3A_288 = arith.constant 0 : i32
      %dma_start3A_289 = tpu.memref_slice %arg3[%dma_start3A_287, %dma_start3A_288] : memref<1000000x64xf32, #tpu.memory_space<hbm>> -> memref<1000000x64xf32, #tpu.memory_space<hbm>>
      %dma_start3A_290 = tpu.memref_slice %arg7[%dma_start3A_279] : memref<10x!tpu.dma_semaphore, #tpu.memory_space<semaphore_mem>> -> memref<1x!tpu.dma_semaphore, #tpu.memory_space<semaphore_mem>>
      %dma_start3A_291 = tpu.memref_squeeze %dma_start3A_290 : memref<1x!tpu.dma_semaphore, #tpu.memory_space<semaphore_mem>> -> memref<!tpu.dma_semaphore, #tpu.memory_space<semaphore_mem>>
      tpu.enqueue_indirect_dma source(%dma_start3A_289 : memref<1000000x64xf32, #tpu.memory_space<hbm>>) target(%dma_start3A_283 : memref<128x64xf32, #tpu.memory_space<vmem>>) offsets(%dma_start3A_286 : memref<128xi32, #tpu.memory_space<vmem>>) semaphore(%dma_start3A_291 : memref<!tpu.dma_semaphore, #tpu.memory_space<semaphore_mem>>)
      %gt3A_292 = arith.constant 0 : i32
      %gt3A_293 = arith.cmpi sgt, %scan3A_167, %gt3A_292 : i32
      %convert_element_type3A_294 = arith.extui %gt3A_293 : i1 to i32
      %cond3A_295 = arith.constant 0 : i32
      %cond3A_296 = arith.cmpi ne, %convert_element_type3A_294, %cond3A_295 : i32
      scf.if %cond3A_296 {
        %dma_wait3A_746 = arith.constant 6 : i32
        %dma_wait3A_747 = arith.constant 6 : i32
        %dma_wait3A_748 = arith.constant 0 : i32
        %dma_wait3A_749 = arith.constant 0 : i32
        %dma_wait3A_750 = tpu.memref_slice %arg6[%dma_wait3A_746, %dma_wait3A_748, %dma_wait3A_749] : memref<10x128x64xf32, #tpu.memory_space<vmem>> -> memref<1x128x64xf32, #tpu.memory_space<vmem>>
        %dma_wait3A_751 = tpu.memref_squeeze %dma_wait3A_750 : memref<1x128x64xf32, #tpu.memory_space<vmem>> -> memref<128x64xf32, #tpu.memory_space<vmem>>
        %dma_wait3A_752 = arith.constant 0 : i32
        %dma_wait3A_753 = tpu.memref_slice %arg4[%mul3A_2, %dma_wait3A_752] : memref<819200x64xf32, #tpu.memory_space<hbm>> -> memref<128x64xf32, #tpu.memory_space<hbm>>
        %dma_wait3A_754 = tpu.memref_slice %arg8[%dma_wait3A_747] : memref<10x!tpu.dma_semaphore, #tpu.memory_space<semaphore_mem>> -> memref<1x!tpu.dma_semaphore, #tpu.memory_space<semaphore_mem>>
        %dma_wait3A_755 = tpu.memref_squeeze %dma_wait3A_754 : memref<1x!tpu.dma_semaphore, #tpu.memory_space<semaphore_mem>> -> memref<!tpu.dma_semaphore, #tpu.memory_space<semaphore_mem>>
        %dma_wait3A_756 = arith.constant 0 : i32
        %dma_wait3A_757 = tpu.memref_slice %arg4[%mul3A_2, %dma_wait3A_756] : memref<819200x64xf32, #tpu.memory_space<hbm>> -> memref<128x64xf32, #tpu.memory_space<hbm>>
        %dma_wait3A_758 = arith.constant 0 : i32
        %dma_wait3A_759 = arith.constant 0 : i32
        %dma_wait3A_760 = tpu.memref_slice %arg6[%dma_wait3A_746, %dma_wait3A_758, %dma_wait3A_759] : memref<10x128x64xf32, #tpu.memory_space<vmem>> -> memref<1x128x64xf32, #tpu.memory_space<vmem>>
        %dma_wait3A_761 = tpu.memref_squeeze %dma_wait3A_760 : memref<1x128x64xf32, #tpu.memory_space<vmem>> -> memref<128x64xf32, #tpu.memory_space<vmem>>
        tpu.wait_dma2 semaphore(%dma_wait3A_755 : memref<!tpu.dma_semaphore, #tpu.memory_space<semaphore_mem>>) src(%dma_wait3A_761 : memref<128x64xf32, #tpu.memory_space<vmem>>) dst(%dma_wait3A_757 : memref<128x64xf32, #tpu.memory_space<hbm>>)
      } else {
      }
      %add3A_297 = arith.constant 6 : i32
      %add3A_298 = arith.addi %mul3A_169, %add3A_297 : i32
      %dma_start3A_299 = arith.constant 6 : i32
      %dma_start3A_300 = arith.constant 6 : i32
      %dma_start3A_301 = arith.constant 0 : i32
      %dma_start3A_302 = arith.constant 0 : i32
      %dma_start3A_303 = tpu.memref_slice %arg6[%dma_start3A_299, %dma_start3A_301, %dma_start3A_302] : memref<10x128x64xf32, #tpu.memory_space<vmem>> -> memref<1x128x64xf32, #tpu.memory_space<vmem>>
      %dma_start3A_304 = tpu.memref_squeeze %dma_start3A_303 : memref<1x128x64xf32, #tpu.memory_space<vmem>> -> memref<128x64xf32, #tpu.memory_space<vmem>>
      %dma_start3A_305 = arith.constant 0 : i32
      %dma_start3A_306 = tpu.memref_slice %arg5[%add3A_298, %dma_start3A_305] : memref<200x128xi32, #tpu.memory_space<vmem>> -> memref<1x128xi32, #tpu.memory_space<vmem>>
      %dma_start3A_307 = tpu.memref_squeeze %dma_start3A_306 : memref<1x128xi32, #tpu.memory_space<vmem>> -> memref<128xi32, #tpu.memory_space<vmem>>
      %dma_start3A_308 = arith.constant 0 : i32
      %dma_start3A_309 = arith.constant 0 : i32
      %dma_start3A_310 = tpu.memref_slice %arg3[%dma_start3A_308, %dma_start3A_309] : memref<1000000x64xf32, #tpu.memory_space<hbm>> -> memref<1000000x64xf32, #tpu.memory_space<hbm>>
      %dma_start3A_311 = tpu.memref_slice %arg7[%dma_start3A_300] : memref<10x!tpu.dma_semaphore, #tpu.memory_space<semaphore_mem>> -> memref<1x!tpu.dma_semaphore, #tpu.memory_space<semaphore_mem>>
      %dma_start3A_312 = tpu.memref_squeeze %dma_start3A_311 : memref<1x!tpu.dma_semaphore, #tpu.memory_space<semaphore_mem>> -> memref<!tpu.dma_semaphore, #tpu.memory_space<semaphore_mem>>
      tpu.enqueue_indirect_dma source(%dma_start3A_310 : memref<1000000x64xf32, #tpu.memory_space<hbm>>) target(%dma_start3A_304 : memref<128x64xf32, #tpu.memory_space<vmem>>) offsets(%dma_start3A_307 : memref<128xi32, #tpu.memory_space<vmem>>) semaphore(%dma_start3A_312 : memref<!tpu.dma_semaphore, #tpu.memory_space<semaphore_mem>>)
      %gt3A_313 = arith.constant 0 : i32
      %gt3A_314 = arith.cmpi sgt, %scan3A_167, %gt3A_313 : i32
      %convert_element_type3A_315 = arith.extui %gt3A_314 : i1 to i32
      %cond3A_316 = arith.constant 0 : i32
      %cond3A_317 = arith.cmpi ne, %convert_element_type3A_315, %cond3A_316 : i32
      scf.if %cond3A_317 {
        %dma_wait3A_746 = arith.constant 7 : i32
        %dma_wait3A_747 = arith.constant 7 : i32
        %dma_wait3A_748 = arith.constant 0 : i32
        %dma_wait3A_749 = arith.constant 0 : i32
        %dma_wait3A_750 = tpu.memref_slice %arg6[%dma_wait3A_746, %dma_wait3A_748, %dma_wait3A_749] : memref<10x128x64xf32, #tpu.memory_space<vmem>> -> memref<1x128x64xf32, #tpu.memory_space<vmem>>
        %dma_wait3A_751 = tpu.memref_squeeze %dma_wait3A_750 : memref<1x128x64xf32, #tpu.memory_space<vmem>> -> memref<128x64xf32, #tpu.memory_space<vmem>>
        %dma_wait3A_752 = arith.constant 0 : i32
        %dma_wait3A_753 = tpu.memref_slice %arg4[%mul3A_2, %dma_wait3A_752] : memref<819200x64xf32, #tpu.memory_space<hbm>> -> memref<128x64xf32, #tpu.memory_space<hbm>>
        %dma_wait3A_754 = tpu.memref_slice %arg8[%dma_wait3A_747] : memref<10x!tpu.dma_semaphore, #tpu.memory_space<semaphore_mem>> -> memref<1x!tpu.dma_semaphore, #tpu.memory_space<semaphore_mem>>
        %dma_wait3A_755 = tpu.memref_squeeze %dma_wait3A_754 : memref<1x!tpu.dma_semaphore, #tpu.memory_space<semaphore_mem>> -> memref<!tpu.dma_semaphore, #tpu.memory_space<semaphore_mem>>
        %dma_wait3A_756 = arith.constant 0 : i32
        %dma_wait3A_757 = tpu.memref_slice %arg4[%mul3A_2, %dma_wait3A_756] : memref<819200x64xf32, #tpu.memory_space<hbm>> -> memref<128x64xf32, #tpu.memory_space<hbm>>
        %dma_wait3A_758 = arith.constant 0 : i32
        %dma_wait3A_759 = arith.constant 0 : i32
        %dma_wait3A_760 = tpu.memref_slice %arg6[%dma_wait3A_746, %dma_wait3A_758, %dma_wait3A_759] : memref<10x128x64xf32, #tpu.memory_space<vmem>> -> memref<1x128x64xf32, #tpu.memory_space<vmem>>
        %dma_wait3A_761 = tpu.memref_squeeze %dma_wait3A_760 : memref<1x128x64xf32, #tpu.memory_space<vmem>> -> memref<128x64xf32, #tpu.memory_space<vmem>>
        tpu.wait_dma2 semaphore(%dma_wait3A_755 : memref<!tpu.dma_semaphore, #tpu.memory_space<semaphore_mem>>) src(%dma_wait3A_761 : memref<128x64xf32, #tpu.memory_space<vmem>>) dst(%dma_wait3A_757 : memref<128x64xf32, #tpu.memory_space<hbm>>)
      } else {
      }
      %add3A_318 = arith.constant 7 : i32
      %add3A_319 = arith.addi %mul3A_169, %add3A_318 : i32
      %dma_start3A_320 = arith.constant 7 : i32
      %dma_start3A_321 = arith.constant 7 : i32
      %dma_start3A_322 = arith.constant 0 : i32
      %dma_start3A_323 = arith.constant 0 : i32
      %dma_start3A_324 = tpu.memref_slice %arg6[%dma_start3A_320, %dma_start3A_322, %dma_start3A_323] : memref<10x128x64xf32, #tpu.memory_space<vmem>> -> memref<1x128x64xf32, #tpu.memory_space<vmem>>
      %dma_start3A_325 = tpu.memref_squeeze %dma_start3A_324 : memref<1x128x64xf32, #tpu.memory_space<vmem>> -> memref<128x64xf32, #tpu.memory_space<vmem>>
      %dma_start3A_326 = arith.constant 0 : i32
      %dma_start3A_327 = tpu.memref_slice %arg5[%add3A_319, %dma_start3A_326] : memref<200x128xi32, #tpu.memory_space<vmem>> -> memref<1x128xi32, #tpu.memory_space<vmem>>
      %dma_start3A_328 = tpu.memref_squeeze %dma_start3A_327 : memref<1x128xi32, #tpu.memory_space<vmem>> -> memref<128xi32, #tpu.memory_space<vmem>>
      %dma_start3A_329 = arith.constant 0 : i32
      %dma_start3A_330 = arith.constant 0 : i32
      %dma_start3A_331 = tpu.memref_slice %arg3[%dma_start3A_329, %dma_start3A_330] : memref<1000000x64xf32, #tpu.memory_space<hbm>> -> memref<1000000x64xf32, #tpu.memory_space<hbm>>
      %dma_start3A_332 = tpu.memref_slice %arg7[%dma_start3A_321] : memref<10x!tpu.dma_semaphore, #tpu.memory_space<semaphore_mem>> -> memref<1x!tpu.dma_semaphore, #tpu.memory_space<semaphore_mem>>
      %dma_start3A_333 = tpu.memref_squeeze %dma_start3A_332 : memref<1x!tpu.dma_semaphore, #tpu.memory_space<semaphore_mem>> -> memref<!tpu.dma_semaphore, #tpu.memory_space<semaphore_mem>>
      tpu.enqueue_indirect_dma source(%dma_start3A_331 : memref<1000000x64xf32, #tpu.memory_space<hbm>>) target(%dma_start3A_325 : memref<128x64xf32, #tpu.memory_space<vmem>>) offsets(%dma_start3A_328 : memref<128xi32, #tpu.memory_space<vmem>>) semaphore(%dma_start3A_333 : memref<!tpu.dma_semaphore, #tpu.memory_space<semaphore_mem>>)
      %gt3A_334 = arith.constant 0 : i32
      %gt3A_335 = arith.cmpi sgt, %scan3A_167, %gt3A_334 : i32
      %convert_element_type3A_336 = arith.extui %gt3A_335 : i1 to i32
      %cond3A_337 = arith.constant 0 : i32
      %cond3A_338 = arith.cmpi ne, %convert_element_type3A_336, %cond3A_337 : i32
      scf.if %cond3A_338 {
        %dma_wait3A_746 = arith.constant 8 : i32
        %dma_wait3A_747 = arith.constant 8 : i32
        %dma_wait3A_748 = arith.constant 0 : i32
        %dma_wait3A_749 = arith.constant 0 : i32
        %dma_wait3A_750 = tpu.memref_slice %arg6[%dma_wait3A_746, %dma_wait3A_748, %dma_wait3A_749] : memref<10x128x64xf32, #tpu.memory_space<vmem>> -> memref<1x128x64xf32, #tpu.memory_space<vmem>>
        %dma_wait3A_751 = tpu.memref_squeeze %dma_wait3A_750 : memref<1x128x64xf32, #tpu.memory_space<vmem>> -> memref<128x64xf32, #tpu.memory_space<vmem>>
        %dma_wait3A_752 = arith.constant 0 : i32
        %dma_wait3A_753 = tpu.memref_slice %arg4[%mul3A_2, %dma_wait3A_752] : memref<819200x64xf32, #tpu.memory_space<hbm>> -> memref<128x64xf32, #tpu.memory_space<hbm>>
        %dma_wait3A_754 = tpu.memref_slice %arg8[%dma_wait3A_747] : memref<10x!tpu.dma_semaphore, #tpu.memory_space<semaphore_mem>> -> memref<1x!tpu.dma_semaphore, #tpu.memory_space<semaphore_mem>>
        %dma_wait3A_755 = tpu.memref_squeeze %dma_wait3A_754 : memref<1x!tpu.dma_semaphore, #tpu.memory_space<semaphore_mem>> -> memref<!tpu.dma_semaphore, #tpu.memory_space<semaphore_mem>>
        %dma_wait3A_756 = arith.constant 0 : i32
        %dma_wait3A_757 = tpu.memref_slice %arg4[%mul3A_2, %dma_wait3A_756] : memref<819200x64xf32, #tpu.memory_space<hbm>> -> memref<128x64xf32, #tpu.memory_space<hbm>>
        %dma_wait3A_758 = arith.constant 0 : i32
        %dma_wait3A_759 = arith.constant 0 : i32
        %dma_wait3A_760 = tpu.memref_slice %arg6[%dma_wait3A_746, %dma_wait3A_758, %dma_wait3A_759] : memref<10x128x64xf32, #tpu.memory_space<vmem>> -> memref<1x128x64xf32, #tpu.memory_space<vmem>>
        %dma_wait3A_761 = tpu.memref_squeeze %dma_wait3A_760 : memref<1x128x64xf32, #tpu.memory_space<vmem>> -> memref<128x64xf32, #tpu.memory_space<vmem>>
        tpu.wait_dma2 semaphore(%dma_wait3A_755 : memref<!tpu.dma_semaphore, #tpu.memory_space<semaphore_mem>>) src(%dma_wait3A_761 : memref<128x64xf32, #tpu.memory_space<vmem>>) dst(%dma_wait3A_757 : memref<128x64xf32, #tpu.memory_space<hbm>>)
      } else {
      }
      %add3A_339 = arith.constant 8 : i32
      %add3A_340 = arith.addi %mul3A_169, %add3A_339 : i32
      %dma_start3A_341 = arith.constant 8 : i32
      %dma_start3A_342 = arith.constant 8 : i32
      %dma_start3A_343 = arith.constant 0 : i32
      %dma_start3A_344 = arith.constant 0 : i32
      %dma_start3A_345 = tpu.memref_slice %arg6[%dma_start3A_341, %dma_start3A_343, %dma_start3A_344] : memref<10x128x64xf32, #tpu.memory_space<vmem>> -> memref<1x128x64xf32, #tpu.memory_space<vmem>>
      %dma_start3A_346 = tpu.memref_squeeze %dma_start3A_345 : memref<1x128x64xf32, #tpu.memory_space<vmem>> -> memref<128x64xf32, #tpu.memory_space<vmem>>
      %dma_start3A_347 = arith.constant 0 : i32
      %dma_start3A_348 = tpu.memref_slice %arg5[%add3A_340, %dma_start3A_347] : memref<200x128xi32, #tpu.memory_space<vmem>> -> memref<1x128xi32, #tpu.memory_space<vmem>>
      %dma_start3A_349 = tpu.memref_squeeze %dma_start3A_348 : memref<1x128xi32, #tpu.memory_space<vmem>> -> memref<128xi32, #tpu.memory_space<vmem>>
      %dma_start3A_350 = arith.constant 0 : i32
      %dma_start3A_351 = arith.constant 0 : i32
      %dma_start3A_352 = tpu.memref_slice %arg3[%dma_start3A_350, %dma_start3A_351] : memref<1000000x64xf32, #tpu.memory_space<hbm>> -> memref<1000000x64xf32, #tpu.memory_space<hbm>>
      %dma_start3A_353 = tpu.memref_slice %arg7[%dma_start3A_342] : memref<10x!tpu.dma_semaphore, #tpu.memory_space<semaphore_mem>> -> memref<1x!tpu.dma_semaphore, #tpu.memory_space<semaphore_mem>>
      %dma_start3A_354 = tpu.memref_squeeze %dma_start3A_353 : memref<1x!tpu.dma_semaphore, #tpu.memory_space<semaphore_mem>> -> memref<!tpu.dma_semaphore, #tpu.memory_space<semaphore_mem>>
      tpu.enqueue_indirect_dma source(%dma_start3A_352 : memref<1000000x64xf32, #tpu.memory_space<hbm>>) target(%dma_start3A_346 : memref<128x64xf32, #tpu.memory_space<vmem>>) offsets(%dma_start3A_349 : memref<128xi32, #tpu.memory_space<vmem>>) semaphore(%dma_start3A_354 : memref<!tpu.dma_semaphore, #tpu.memory_space<semaphore_mem>>)
      %gt3A_355 = arith.constant 0 : i32
      %gt3A_356 = arith.cmpi sgt, %scan3A_167, %gt3A_355 : i32
      %convert_element_type3A_357 = arith.extui %gt3A_356 : i1 to i32
      %cond3A_358 = arith.constant 0 : i32
      %cond3A_359 = arith.cmpi ne, %convert_element_type3A_357, %cond3A_358 : i32
      scf.if %cond3A_359 {
        %dma_wait3A_746 = arith.constant 9 : i32
        %dma_wait3A_747 = arith.constant 9 : i32
        %dma_wait3A_748 = arith.constant 0 : i32
        %dma_wait3A_749 = arith.constant 0 : i32
        %dma_wait3A_750 = tpu.memref_slice %arg6[%dma_wait3A_746, %dma_wait3A_748, %dma_wait3A_749] : memref<10x128x64xf32, #tpu.memory_space<vmem>> -> memref<1x128x64xf32, #tpu.memory_space<vmem>>
        %dma_wait3A_751 = tpu.memref_squeeze %dma_wait3A_750 : memref<1x128x64xf32, #tpu.memory_space<vmem>> -> memref<128x64xf32, #tpu.memory_space<vmem>>
        %dma_wait3A_752 = arith.constant 0 : i32
        %dma_wait3A_753 = tpu.memref_slice %arg4[%mul3A_2, %dma_wait3A_752] : memref<819200x64xf32, #tpu.memory_space<hbm>> -> memref<128x64xf32, #tpu.memory_space<hbm>>
        %dma_wait3A_754 = tpu.memref_slice %arg8[%dma_wait3A_747] : memref<10x!tpu.dma_semaphore, #tpu.memory_space<semaphore_mem>> -> memref<1x!tpu.dma_semaphore, #tpu.memory_space<semaphore_mem>>
        %dma_wait3A_755 = tpu.memref_squeeze %dma_wait3A_754 : memref<1x!tpu.dma_semaphore, #tpu.memory_space<semaphore_mem>> -> memref<!tpu.dma_semaphore, #tpu.memory_space<semaphore_mem>>
        %dma_wait3A_756 = arith.constant 0 : i32
        %dma_wait3A_757 = tpu.memref_slice %arg4[%mul3A_2, %dma_wait3A_756] : memref<819200x64xf32, #tpu.memory_space<hbm>> -> memref<128x64xf32, #tpu.memory_space<hbm>>
        %dma_wait3A_758 = arith.constant 0 : i32
        %dma_wait3A_759 = arith.constant 0 : i32
        %dma_wait3A_760 = tpu.memref_slice %arg6[%dma_wait3A_746, %dma_wait3A_758, %dma_wait3A_759] : memref<10x128x64xf32, #tpu.memory_space<vmem>> -> memref<1x128x64xf32, #tpu.memory_space<vmem>>
        %dma_wait3A_761 = tpu.memref_squeeze %dma_wait3A_760 : memref<1x128x64xf32, #tpu.memory_space<vmem>> -> memref<128x64xf32, #tpu.memory_space<vmem>>
        tpu.wait_dma2 semaphore(%dma_wait3A_755 : memref<!tpu.dma_semaphore, #tpu.memory_space<semaphore_mem>>) src(%dma_wait3A_761 : memref<128x64xf32, #tpu.memory_space<vmem>>) dst(%dma_wait3A_757 : memref<128x64xf32, #tpu.memory_space<hbm>>)
      } else {
      }
      %add3A_360 = arith.constant 9 : i32
      %add3A_361 = arith.addi %mul3A_169, %add3A_360 : i32
      %dma_start3A_362 = arith.constant 9 : i32
      %dma_start3A_363 = arith.constant 9 : i32
      %dma_start3A_364 = arith.constant 0 : i32
      %dma_start3A_365 = arith.constant 0 : i32
      %dma_start3A_366 = tpu.memref_slice %arg6[%dma_start3A_362, %dma_start3A_364, %dma_start3A_365] : memref<10x128x64xf32, #tpu.memory_space<vmem>> -> memref<1x128x64xf32, #tpu.memory_space<vmem>>
      %dma_start3A_367 = tpu.memref_squeeze %dma_start3A_366 : memref<1x128x64xf32, #tpu.memory_space<vmem>> -> memref<128x64xf32, #tpu.memory_space<vmem>>
      %dma_start3A_368 = arith.constant 0 : i32
      %dma_start3A_369 = tpu.memref_slice %arg5[%add3A_361, %dma_start3A_368] : memref<200x128xi32, #tpu.memory_space<vmem>> -> memref<1x128xi32, #tpu.memory_space<vmem>>
      %dma_start3A_370 = tpu.memref_squeeze %dma_start3A_369 : memref<1x128xi32, #tpu.memory_space<vmem>> -> memref<128xi32, #tpu.memory_space<vmem>>
      %dma_start3A_371 = arith.constant 0 : i32
      %dma_start3A_372 = arith.constant 0 : i32
      %dma_start3A_373 = tpu.memref_slice %arg3[%dma_start3A_371, %dma_start3A_372] : memref<1000000x64xf32, #tpu.memory_space<hbm>> -> memref<1000000x64xf32, #tpu.memory_space<hbm>>
      %dma_start3A_374 = tpu.memref_slice %arg7[%dma_start3A_363] : memref<10x!tpu.dma_semaphore, #tpu.memory_space<semaphore_mem>> -> memref<1x!tpu.dma_semaphore, #tpu.memory_space<semaphore_mem>>
      %dma_start3A_375 = tpu.memref_squeeze %dma_start3A_374 : memref<1x!tpu.dma_semaphore, #tpu.memory_space<semaphore_mem>> -> memref<!tpu.dma_semaphore, #tpu.memory_space<semaphore_mem>>
      tpu.enqueue_indirect_dma source(%dma_start3A_373 : memref<1000000x64xf32, #tpu.memory_space<hbm>>) target(%dma_start3A_367 : memref<128x64xf32, #tpu.memory_space<vmem>>) offsets(%dma_start3A_370 : memref<128xi32, #tpu.memory_space<vmem>>) semaphore(%dma_start3A_375 : memref<!tpu.dma_semaphore, #tpu.memory_space<semaphore_mem>>)
      %add3A_376 = arith.constant 0 : i32
      %add3A_377 = arith.addi %mul3A_169, %add3A_376 : i32
      %dma_wait3A_378 = arith.constant 0 : i32
      %dma_wait3A_379 = arith.constant 0 : i32
      %dma_wait3A_380 = arith.constant 0 : i32
      %dma_wait3A_381 = arith.constant 0 : i32
      %dma_wait3A_382 = tpu.memref_slice %arg6[%dma_wait3A_378, %dma_wait3A_380, %dma_wait3A_381] : memref<10x128x64xf32, #tpu.memory_space<vmem>> -> memref<1x128x64xf32, #tpu.memory_space<vmem>>
      %dma_wait3A_383 = tpu.memref_squeeze %dma_wait3A_382 : memref<1x128x64xf32, #tpu.memory_space<vmem>> -> memref<128x64xf32, #tpu.memory_space<vmem>>
      %dma_wait3A_384 = arith.constant 0 : i32
      %dma_wait3A_385 = tpu.memref_slice %arg5[%add3A_377, %dma_wait3A_384] : memref<200x128xi32, #tpu.memory_space<vmem>> -> memref<1x128xi32, #tpu.memory_space<vmem>>
      %dma_wait3A_386 = tpu.memref_squeeze %dma_wait3A_385 : memref<1x128xi32, #tpu.memory_space<vmem>> -> memref<128xi32, #tpu.memory_space<vmem>>
      %dma_wait3A_387 = arith.constant 0 : i32
      %dma_wait3A_388 = arith.constant 0 : i32
      %dma_wait3A_389 = tpu.memref_slice %arg3[%dma_wait3A_387, %dma_wait3A_388] : memref<1000000x64xf32, #tpu.memory_space<hbm>> -> memref<1000000x64xf32, #tpu.memory_space<hbm>>
      %dma_wait3A_390 = tpu.memref_slice %arg7[%dma_wait3A_379] : memref<10x!tpu.dma_semaphore, #tpu.memory_space<semaphore_mem>> -> memref<1x!tpu.dma_semaphore, #tpu.memory_space<semaphore_mem>>
      %dma_wait3A_391 = tpu.memref_squeeze %dma_wait3A_390 : memref<1x!tpu.dma_semaphore, #tpu.memory_space<semaphore_mem>> -> memref<!tpu.dma_semaphore, #tpu.memory_space<semaphore_mem>>
      tpu.wait_indirect_dma semaphore(%dma_wait3A_391 : memref<!tpu.dma_semaphore, #tpu.memory_space<semaphore_mem>>) src(%dma_wait3A_389 : memref<1000000x64xf32, #tpu.memory_space<hbm>>) dst(%dma_wait3A_383 : memref<128x64xf32, #tpu.memory_space<vmem>>)
      %add3A_392 = arith.constant 0 : i32
      %add3A_393 = arith.addi %mul3A_169, %add3A_392 : i32
      %mul3A_394 = arith.constant 128 : i32
      %mul3A_395 = arith.muli %add3A_393, %mul3A_394 : i32
      %add3A_396 = arith.addi %mul3A_2, %mul3A_395 : i32
      %dma_start3A_397 = arith.constant 0 : i32
      %dma_start3A_398 = arith.constant 0 : i32
      %dma_start3A_399 = arith.constant 0 : i32
      %dma_start3A_400 = arith.constant 0 : i32
      %dma_start3A_401 = tpu.memref_slice %arg6[%dma_start3A_397, %dma_start3A_399, %dma_start3A_400] : memref<10x128x64xf32, #tpu.memory_space<vmem>> -> memref<1x128x64xf32, #tpu.memory_space<vmem>>
      %dma_start3A_402 = tpu.memref_squeeze %dma_start3A_401 : memref<1x128x64xf32, #tpu.memory_space<vmem>> -> memref<128x64xf32, #tpu.memory_space<vmem>>
      %dma_start3A_403 = arith.constant 0 : i32
      %dma_start3A_404 = tpu.memref_slice %arg4[%add3A_396, %dma_start3A_403] : memref<819200x64xf32, #tpu.memory_space<hbm>> -> memref<128x64xf32, #tpu.memory_space<hbm>>
      %dma_start3A_405 = tpu.memref_slice %arg8[%dma_start3A_398] : memref<10x!tpu.dma_semaphore, #tpu.memory_space<semaphore_mem>> -> memref<1x!tpu.dma_semaphore, #tpu.memory_space<semaphore_mem>>
      %dma_start3A_406 = tpu.memref_squeeze %dma_start3A_405 : memref<1x!tpu.dma_semaphore, #tpu.memory_space<semaphore_mem>> -> memref<!tpu.dma_semaphore, #tpu.memory_space<semaphore_mem>>
      %dma_start3A_407 = arith.constant 0 : i32
      %dma_start3A_408 = tpu.memref_slice %arg4[%add3A_396, %dma_start3A_407] : memref<819200x64xf32, #tpu.memory_space<hbm>> -> memref<128x64xf32, #tpu.memory_space<hbm>>
      %dma_start3A_409 = arith.constant 0 : i32
      %dma_start3A_410 = arith.constant 0 : i32
      %dma_start3A_411 = tpu.memref_slice %arg6[%dma_start3A_397, %dma_start3A_409, %dma_start3A_410] : memref<10x128x64xf32, #tpu.memory_space<vmem>> -> memref<1x128x64xf32, #tpu.memory_space<vmem>>
      %dma_start3A_412 = tpu.memref_squeeze %dma_start3A_411 : memref<1x128x64xf32, #tpu.memory_space<vmem>> -> memref<128x64xf32, #tpu.memory_space<vmem>>
      tpu.enqueue_dma source(%dma_start3A_412 : memref<128x64xf32, #tpu.memory_space<vmem>>) target(%dma_start3A_408 : memref<128x64xf32, #tpu.memory_space<hbm>>) target_semaphore(%dma_start3A_406 : memref<!tpu.dma_semaphore, #tpu.memory_space<semaphore_mem>>)
      %add3A_413 = arith.constant 1 : i32
      %add3A_414 = arith.addi %mul3A_169, %add3A_413 : i32
      %dma_wait3A_415 = arith.constant 1 : i32
      %dma_wait3A_416 = arith.constant 1 : i32
      %dma_wait3A_417 = arith.constant 0 : i32
      %dma_wait3A_418 = arith.constant 0 : i32
      %dma_wait3A_419 = tpu.memref_slice %arg6[%dma_wait3A_415, %dma_wait3A_417, %dma_wait3A_418] : memref<10x128x64xf32, #tpu.memory_space<vmem>> -> memref<1x128x64xf32, #tpu.memory_space<vmem>>
      %dma_wait3A_420 = tpu.memref_squeeze %dma_wait3A_419 : memref<1x128x64xf32, #tpu.memory_space<vmem>> -> memref<128x64xf32, #tpu.memory_space<vmem>>
      %dma_wait3A_421 = arith.constant 0 : i32
      %dma_wait3A_422 = tpu.memref_slice %arg5[%add3A_414, %dma_wait3A_421] : memref<200x128xi32, #tpu.memory_space<vmem>> -> memref<1x128xi32, #tpu.memory_space<vmem>>
      %dma_wait3A_423 = tpu.memref_squeeze %dma_wait3A_422 : memref<1x128xi32, #tpu.memory_space<vmem>> -> memref<128xi32, #tpu.memory_space<vmem>>
      %dma_wait3A_424 = arith.constant 0 : i32
      %dma_wait3A_425 = arith.constant 0 : i32
      %dma_wait3A_426 = tpu.memref_slice %arg3[%dma_wait3A_424, %dma_wait3A_425] : memref<1000000x64xf32, #tpu.memory_space<hbm>> -> memref<1000000x64xf32, #tpu.memory_space<hbm>>
      %dma_wait3A_427 = tpu.memref_slice %arg7[%dma_wait3A_416] : memref<10x!tpu.dma_semaphore, #tpu.memory_space<semaphore_mem>> -> memref<1x!tpu.dma_semaphore, #tpu.memory_space<semaphore_mem>>
      %dma_wait3A_428 = tpu.memref_squeeze %dma_wait3A_427 : memref<1x!tpu.dma_semaphore, #tpu.memory_space<semaphore_mem>> -> memref<!tpu.dma_semaphore, #tpu.memory_space<semaphore_mem>>
      tpu.wait_indirect_dma semaphore(%dma_wait3A_428 : memref<!tpu.dma_semaphore, #tpu.memory_space<semaphore_mem>>) src(%dma_wait3A_426 : memref<1000000x64xf32, #tpu.memory_space<hbm>>) dst(%dma_wait3A_420 : memref<128x64xf32, #tpu.memory_space<vmem>>)
      %add3A_429 = arith.constant 1 : i32
      %add3A_430 = arith.addi %mul3A_169, %add3A_429 : i32
      %mul3A_431 = arith.constant 128 : i32
      %mul3A_432 = arith.muli %add3A_430, %mul3A_431 : i32
      %add3A_433 = arith.addi %mul3A_2, %mul3A_432 : i32
      %dma_start3A_434 = arith.constant 1 : i32
      %dma_start3A_435 = arith.constant 1 : i32
      %dma_start3A_436 = arith.constant 0 : i32
      %dma_start3A_437 = arith.constant 0 : i32
      %dma_start3A_438 = tpu.memref_slice %arg6[%dma_start3A_434, %dma_start3A_436, %dma_start3A_437] : memref<10x128x64xf32, #tpu.memory_space<vmem>> -> memref<1x128x64xf32, #tpu.memory_space<vmem>>
      %dma_start3A_439 = tpu.memref_squeeze %dma_start3A_438 : memref<1x128x64xf32, #tpu.memory_space<vmem>> -> memref<128x64xf32, #tpu.memory_space<vmem>>
      %dma_start3A_440 = arith.constant 0 : i32
      %dma_start3A_441 = tpu.memref_slice %arg4[%add3A_433, %dma_start3A_440] : memref<819200x64xf32, #tpu.memory_space<hbm>> -> memref<128x64xf32, #tpu.memory_space<hbm>>
      %dma_start3A_442 = tpu.memref_slice %arg8[%dma_start3A_435] : memref<10x!tpu.dma_semaphore, #tpu.memory_space<semaphore_mem>> -> memref<1x!tpu.dma_semaphore, #tpu.memory_space<semaphore_mem>>
      %dma_start3A_443 = tpu.memref_squeeze %dma_start3A_442 : memref<1x!tpu.dma_semaphore, #tpu.memory_space<semaphore_mem>> -> memref<!tpu.dma_semaphore, #tpu.memory_space<semaphore_mem>>
      %dma_start3A_444 = arith.constant 0 : i32
      %dma_start3A_445 = tpu.memref_slice %arg4[%add3A_433, %dma_start3A_444] : memref<819200x64xf32, #tpu.memory_space<hbm>> -> memref<128x64xf32, #tpu.memory_space<hbm>>
      %dma_start3A_446 = arith.constant 0 : i32
      %dma_start3A_447 = arith.constant 0 : i32
      %dma_start3A_448 = tpu.memref_slice %arg6[%dma_start3A_434, %dma_start3A_446, %dma_start3A_447] : memref<10x128x64xf32, #tpu.memory_space<vmem>> -> memref<1x128x64xf32, #tpu.memory_space<vmem>>
      %dma_start3A_449 = tpu.memref_squeeze %dma_start3A_448 : memref<1x128x64xf32, #tpu.memory_space<vmem>> -> memref<128x64xf32, #tpu.memory_space<vmem>>
      tpu.enqueue_dma source(%dma_start3A_449 : memref<128x64xf32, #tpu.memory_space<vmem>>) target(%dma_start3A_445 : memref<128x64xf32, #tpu.memory_space<hbm>>) target_semaphore(%dma_start3A_443 : memref<!tpu.dma_semaphore, #tpu.memory_space<semaphore_mem>>)
      %add3A_450 = arith.constant 2 : i32
      %add3A_451 = arith.addi %mul3A_169, %add3A_450 : i32
      %dma_wait3A_452 = arith.constant 2 : i32
      %dma_wait3A_453 = arith.constant 2 : i32
      %dma_wait3A_454 = arith.constant 0 : i32
      %dma_wait3A_455 = arith.constant 0 : i32
      %dma_wait3A_456 = tpu.memref_slice %arg6[%dma_wait3A_452, %dma_wait3A_454, %dma_wait3A_455] : memref<10x128x64xf32, #tpu.memory_space<vmem>> -> memref<1x128x64xf32, #tpu.memory_space<vmem>>
      %dma_wait3A_457 = tpu.memref_squeeze %dma_wait3A_456 : memref<1x128x64xf32, #tpu.memory_space<vmem>> -> memref<128x64xf32, #tpu.memory_space<vmem>>
      %dma_wait3A_458 = arith.constant 0 : i32
      %dma_wait3A_459 = tpu.memref_slice %arg5[%add3A_451, %dma_wait3A_458] : memref<200x128xi32, #tpu.memory_space<vmem>> -> memref<1x128xi32, #tpu.memory_space<vmem>>
      %dma_wait3A_460 = tpu.memref_squeeze %dma_wait3A_459 : memref<1x128xi32, #tpu.memory_space<vmem>> -> memref<128xi32, #tpu.memory_space<vmem>>
      %dma_wait3A_461 = arith.constant 0 : i32
      %dma_wait3A_462 = arith.constant 0 : i32
      %dma_wait3A_463 = tpu.memref_slice %arg3[%dma_wait3A_461, %dma_wait3A_462] : memref<1000000x64xf32, #tpu.memory_space<hbm>> -> memref<1000000x64xf32, #tpu.memory_space<hbm>>
      %dma_wait3A_464 = tpu.memref_slice %arg7[%dma_wait3A_453] : memref<10x!tpu.dma_semaphore, #tpu.memory_space<semaphore_mem>> -> memref<1x!tpu.dma_semaphore, #tpu.memory_space<semaphore_mem>>
      %dma_wait3A_465 = tpu.memref_squeeze %dma_wait3A_464 : memref<1x!tpu.dma_semaphore, #tpu.memory_space<semaphore_mem>> -> memref<!tpu.dma_semaphore, #tpu.memory_space<semaphore_mem>>
      tpu.wait_indirect_dma semaphore(%dma_wait3A_465 : memref<!tpu.dma_semaphore, #tpu.memory_space<semaphore_mem>>) src(%dma_wait3A_463 : memref<1000000x64xf32, #tpu.memory_space<hbm>>) dst(%dma_wait3A_457 : memref<128x64xf32, #tpu.memory_space<vmem>>)
      %add3A_466 = arith.constant 2 : i32
      %add3A_467 = arith.addi %mul3A_169, %add3A_466 : i32
      %mul3A_468 = arith.constant 128 : i32
      %mul3A_469 = arith.muli %add3A_467, %mul3A_468 : i32
      %add3A_470 = arith.addi %mul3A_2, %mul3A_469 : i32
      %dma_start3A_471 = arith.constant 2 : i32
      %dma_start3A_472 = arith.constant 2 : i32
      %dma_start3A_473 = arith.constant 0 : i32
      %dma_start3A_474 = arith.constant 0 : i32
      %dma_start3A_475 = tpu.memref_slice %arg6[%dma_start3A_471, %dma_start3A_473, %dma_start3A_474] : memref<10x128x64xf32, #tpu.memory_space<vmem>> -> memref<1x128x64xf32, #tpu.memory_space<vmem>>
      %dma_start3A_476 = tpu.memref_squeeze %dma_start3A_475 : memref<1x128x64xf32, #tpu.memory_space<vmem>> -> memref<128x64xf32, #tpu.memory_space<vmem>>
      %dma_start3A_477 = arith.constant 0 : i32
      %dma_start3A_478 = tpu.memref_slice %arg4[%add3A_470, %dma_start3A_477] : memref<819200x64xf32, #tpu.memory_space<hbm>> -> memref<128x64xf32, #tpu.memory_space<hbm>>
      %dma_start3A_479 = tpu.memref_slice %arg8[%dma_start3A_472] : memref<10x!tpu.dma_semaphore, #tpu.memory_space<semaphore_mem>> -> memref<1x!tpu.dma_semaphore, #tpu.memory_space<semaphore_mem>>
      %dma_start3A_480 = tpu.memref_squeeze %dma_start3A_479 : memref<1x!tpu.dma_semaphore, #tpu.memory_space<semaphore_mem>> -> memref<!tpu.dma_semaphore, #tpu.memory_space<semaphore_mem>>
      %dma_start3A_481 = arith.constant 0 : i32
      %dma_start3A_482 = tpu.memref_slice %arg4[%add3A_470, %dma_start3A_481] : memref<819200x64xf32, #tpu.memory_space<hbm>> -> memref<128x64xf32, #tpu.memory_space<hbm>>
      %dma_start3A_483 = arith.constant 0 : i32
      %dma_start3A_484 = arith.constant 0 : i32
      %dma_start3A_485 = tpu.memref_slice %arg6[%dma_start3A_471, %dma_start3A_483, %dma_start3A_484] : memref<10x128x64xf32, #tpu.memory_space<vmem>> -> memref<1x128x64xf32, #tpu.memory_space<vmem>>
      %dma_start3A_486 = tpu.memref_squeeze %dma_start3A_485 : memref<1x128x64xf32, #tpu.memory_space<vmem>> -> memref<128x64xf32, #tpu.memory_space<vmem>>
      tpu.enqueue_dma source(%dma_start3A_486 : memref<128x64xf32, #tpu.memory_space<vmem>>) target(%dma_start3A_482 : memref<128x64xf32, #tpu.memory_space<hbm>>) target_semaphore(%dma_start3A_480 : memref<!tpu.dma_semaphore, #tpu.memory_space<semaphore_mem>>)
      %add3A_487 = arith.constant 3 : i32
      %add3A_488 = arith.addi %mul3A_169, %add3A_487 : i32
      %dma_wait3A_489 = arith.constant 3 : i32
      %dma_wait3A_490 = arith.constant 3 : i32
      %dma_wait3A_491 = arith.constant 0 : i32
      %dma_wait3A_492 = arith.constant 0 : i32
      %dma_wait3A_493 = tpu.memref_slice %arg6[%dma_wait3A_489, %dma_wait3A_491, %dma_wait3A_492] : memref<10x128x64xf32, #tpu.memory_space<vmem>> -> memref<1x128x64xf32, #tpu.memory_space<vmem>>
      %dma_wait3A_494 = tpu.memref_squeeze %dma_wait3A_493 : memref<1x128x64xf32, #tpu.memory_space<vmem>> -> memref<128x64xf32, #tpu.memory_space<vmem>>
      %dma_wait3A_495 = arith.constant 0 : i32
      %dma_wait3A_496 = tpu.memref_slice %arg5[%add3A_488, %dma_wait3A_495] : memref<200x128xi32, #tpu.memory_space<vmem>> -> memref<1x128xi32, #tpu.memory_space<vmem>>
      %dma_wait3A_497 = tpu.memref_squeeze %dma_wait3A_496 : memref<1x128xi32, #tpu.memory_space<vmem>> -> memref<128xi32, #tpu.memory_space<vmem>>
      %dma_wait3A_498 = arith.constant 0 : i32
      %dma_wait3A_499 = arith.constant 0 : i32
      %dma_wait3A_500 = tpu.memref_slice %arg3[%dma_wait3A_498, %dma_wait3A_499] : memref<1000000x64xf32, #tpu.memory_space<hbm>> -> memref<1000000x64xf32, #tpu.memory_space<hbm>>
      %dma_wait3A_501 = tpu.memref_slice %arg7[%dma_wait3A_490] : memref<10x!tpu.dma_semaphore, #tpu.memory_space<semaphore_mem>> -> memref<1x!tpu.dma_semaphore, #tpu.memory_space<semaphore_mem>>
      %dma_wait3A_502 = tpu.memref_squeeze %dma_wait3A_501 : memref<1x!tpu.dma_semaphore, #tpu.memory_space<semaphore_mem>> -> memref<!tpu.dma_semaphore, #tpu.memory_space<semaphore_mem>>
      tpu.wait_indirect_dma semaphore(%dma_wait3A_502 : memref<!tpu.dma_semaphore, #tpu.memory_space<semaphore_mem>>) src(%dma_wait3A_500 : memref<1000000x64xf32, #tpu.memory_space<hbm>>) dst(%dma_wait3A_494 : memref<128x64xf32, #tpu.memory_space<vmem>>)
      %add3A_503 = arith.constant 3 : i32
      %add3A_504 = arith.addi %mul3A_169, %add3A_503 : i32
      %mul3A_505 = arith.constant 128 : i32
      %mul3A_506 = arith.muli %add3A_504, %mul3A_505 : i32
      %add3A_507 = arith.addi %mul3A_2, %mul3A_506 : i32
      %dma_start3A_508 = arith.constant 3 : i32
      %dma_start3A_509 = arith.constant 3 : i32
      %dma_start3A_510 = arith.constant 0 : i32
      %dma_start3A_511 = arith.constant 0 : i32
      %dma_start3A_512 = tpu.memref_slice %arg6[%dma_start3A_508, %dma_start3A_510, %dma_start3A_511] : memref<10x128x64xf32, #tpu.memory_space<vmem>> -> memref<1x128x64xf32, #tpu.memory_space<vmem>>
      %dma_start3A_513 = tpu.memref_squeeze %dma_start3A_512 : memref<1x128x64xf32, #tpu.memory_space<vmem>> -> memref<128x64xf32, #tpu.memory_space<vmem>>
      %dma_start3A_514 = arith.constant 0 : i32
      %dma_start3A_515 = tpu.memref_slice %arg4[%add3A_507, %dma_start3A_514] : memref<819200x64xf32, #tpu.memory_space<hbm>> -> memref<128x64xf32, #tpu.memory_space<hbm>>
      %dma_start3A_516 = tpu.memref_slice %arg8[%dma_start3A_509] : memref<10x!tpu.dma_semaphore, #tpu.memory_space<semaphore_mem>> -> memref<1x!tpu.dma_semaphore, #tpu.memory_space<semaphore_mem>>
      %dma_start3A_517 = tpu.memref_squeeze %dma_start3A_516 : memref<1x!tpu.dma_semaphore, #tpu.memory_space<semaphore_mem>> -> memref<!tpu.dma_semaphore, #tpu.memory_space<semaphore_mem>>
      %dma_start3A_518 = arith.constant 0 : i32
      %dma_start3A_519 = tpu.memref_slice %arg4[%add3A_507, %dma_start3A_518] : memref<819200x64xf32, #tpu.memory_space<hbm>> -> memref<128x64xf32, #tpu.memory_space<hbm>>
      %dma_start3A_520 = arith.constant 0 : i32
      %dma_start3A_521 = arith.constant 0 : i32
      %dma_start3A_522 = tpu.memref_slice %arg6[%dma_start3A_508, %dma_start3A_520, %dma_start3A_521] : memref<10x128x64xf32, #tpu.memory_space<vmem>> -> memref<1x128x64xf32, #tpu.memory_space<vmem>>
      %dma_start3A_523 = tpu.memref_squeeze %dma_start3A_522 : memref<1x128x64xf32, #tpu.memory_space<vmem>> -> memref<128x64xf32, #tpu.memory_space<vmem>>
      tpu.enqueue_dma source(%dma_start3A_523 : memref<128x64xf32, #tpu.memory_space<vmem>>) target(%dma_start3A_519 : memref<128x64xf32, #tpu.memory_space<hbm>>) target_semaphore(%dma_start3A_517 : memref<!tpu.dma_semaphore, #tpu.memory_space<semaphore_mem>>)
      %add3A_524 = arith.constant 4 : i32
      %add3A_525 = arith.addi %mul3A_169, %add3A_524 : i32
      %dma_wait3A_526 = arith.constant 4 : i32
      %dma_wait3A_527 = arith.constant 4 : i32
      %dma_wait3A_528 = arith.constant 0 : i32
      %dma_wait3A_529 = arith.constant 0 : i32
      %dma_wait3A_530 = tpu.memref_slice %arg6[%dma_wait3A_526, %dma_wait3A_528, %dma_wait3A_529] : memref<10x128x64xf32, #tpu.memory_space<vmem>> -> memref<1x128x64xf32, #tpu.memory_space<vmem>>
      %dma_wait3A_531 = tpu.memref_squeeze %dma_wait3A_530 : memref<1x128x64xf32, #tpu.memory_space<vmem>> -> memref<128x64xf32, #tpu.memory_space<vmem>>
      %dma_wait3A_532 = arith.constant 0 : i32
      %dma_wait3A_533 = tpu.memref_slice %arg5[%add3A_525, %dma_wait3A_532] : memref<200x128xi32, #tpu.memory_space<vmem>> -> memref<1x128xi32, #tpu.memory_space<vmem>>
      %dma_wait3A_534 = tpu.memref_squeeze %dma_wait3A_533 : memref<1x128xi32, #tpu.memory_space<vmem>> -> memref<128xi32, #tpu.memory_space<vmem>>
      %dma_wait3A_535 = arith.constant 0 : i32
      %dma_wait3A_536 = arith.constant 0 : i32
      %dma_wait3A_537 = tpu.memref_slice %arg3[%dma_wait3A_535, %dma_wait3A_536] : memref<1000000x64xf32, #tpu.memory_space<hbm>> -> memref<1000000x64xf32, #tpu.memory_space<hbm>>
      %dma_wait3A_538 = tpu.memref_slice %arg7[%dma_wait3A_527] : memref<10x!tpu.dma_semaphore, #tpu.memory_space<semaphore_mem>> -> memref<1x!tpu.dma_semaphore, #tpu.memory_space<semaphore_mem>>
      %dma_wait3A_539 = tpu.memref_squeeze %dma_wait3A_538 : memref<1x!tpu.dma_semaphore, #tpu.memory_space<semaphore_mem>> -> memref<!tpu.dma_semaphore, #tpu.memory_space<semaphore_mem>>
      tpu.wait_indirect_dma semaphore(%dma_wait3A_539 : memref<!tpu.dma_semaphore, #tpu.memory_space<semaphore_mem>>) src(%dma_wait3A_537 : memref<1000000x64xf32, #tpu.memory_space<hbm>>) dst(%dma_wait3A_531 : memref<128x64xf32, #tpu.memory_space<vmem>>)
      %add3A_540 = arith.constant 4 : i32
      %add3A_541 = arith.addi %mul3A_169, %add3A_540 : i32
      %mul3A_542 = arith.constant 128 : i32
      %mul3A_543 = arith.muli %add3A_541, %mul3A_542 : i32
      %add3A_544 = arith.addi %mul3A_2, %mul3A_543 : i32
      %dma_start3A_545 = arith.constant 4 : i32
      %dma_start3A_546 = arith.constant 4 : i32
      %dma_start3A_547 = arith.constant 0 : i32
      %dma_start3A_548 = arith.constant 0 : i32
      %dma_start3A_549 = tpu.memref_slice %arg6[%dma_start3A_545, %dma_start3A_547, %dma_start3A_548] : memref<10x128x64xf32, #tpu.memory_space<vmem>> -> memref<1x128x64xf32, #tpu.memory_space<vmem>>
      %dma_start3A_550 = tpu.memref_squeeze %dma_start3A_549 : memref<1x128x64xf32, #tpu.memory_space<vmem>> -> memref<128x64xf32, #tpu.memory_space<vmem>>
      %dma_start3A_551 = arith.constant 0 : i32
      %dma_start3A_552 = tpu.memref_slice %arg4[%add3A_544, %dma_start3A_551] : memref<819200x64xf32, #tpu.memory_space<hbm>> -> memref<128x64xf32, #tpu.memory_space<hbm>>
      %dma_start3A_553 = tpu.memref_slice %arg8[%dma_start3A_546] : memref<10x!tpu.dma_semaphore, #tpu.memory_space<semaphore_mem>> -> memref<1x!tpu.dma_semaphore, #tpu.memory_space<semaphore_mem>>
      %dma_start3A_554 = tpu.memref_squeeze %dma_start3A_553 : memref<1x!tpu.dma_semaphore, #tpu.memory_space<semaphore_mem>> -> memref<!tpu.dma_semaphore, #tpu.memory_space<semaphore_mem>>
      %dma_start3A_555 = arith.constant 0 : i32
      %dma_start3A_556 = tpu.memref_slice %arg4[%add3A_544, %dma_start3A_555] : memref<819200x64xf32, #tpu.memory_space<hbm>> -> memref<128x64xf32, #tpu.memory_space<hbm>>
      %dma_start3A_557 = arith.constant 0 : i32
      %dma_start3A_558 = arith.constant 0 : i32
      %dma_start3A_559 = tpu.memref_slice %arg6[%dma_start3A_545, %dma_start3A_557, %dma_start3A_558] : memref<10x128x64xf32, #tpu.memory_space<vmem>> -> memref<1x128x64xf32, #tpu.memory_space<vmem>>
      %dma_start3A_560 = tpu.memref_squeeze %dma_start3A_559 : memref<1x128x64xf32, #tpu.memory_space<vmem>> -> memref<128x64xf32, #tpu.memory_space<vmem>>
      tpu.enqueue_dma source(%dma_start3A_560 : memref<128x64xf32, #tpu.memory_space<vmem>>) target(%dma_start3A_556 : memref<128x64xf32, #tpu.memory_space<hbm>>) target_semaphore(%dma_start3A_554 : memref<!tpu.dma_semaphore, #tpu.memory_space<semaphore_mem>>)
      %add3A_561 = arith.constant 5 : i32
      %add3A_562 = arith.addi %mul3A_169, %add3A_561 : i32
      %dma_wait3A_563 = arith.constant 5 : i32
      %dma_wait3A_564 = arith.constant 5 : i32
      %dma_wait3A_565 = arith.constant 0 : i32
      %dma_wait3A_566 = arith.constant 0 : i32
      %dma_wait3A_567 = tpu.memref_slice %arg6[%dma_wait3A_563, %dma_wait3A_565, %dma_wait3A_566] : memref<10x128x64xf32, #tpu.memory_space<vmem>> -> memref<1x128x64xf32, #tpu.memory_space<vmem>>
      %dma_wait3A_568 = tpu.memref_squeeze %dma_wait3A_567 : memref<1x128x64xf32, #tpu.memory_space<vmem>> -> memref<128x64xf32, #tpu.memory_space<vmem>>
      %dma_wait3A_569 = arith.constant 0 : i32
      %dma_wait3A_570 = tpu.memref_slice %arg5[%add3A_562, %dma_wait3A_569] : memref<200x128xi32, #tpu.memory_space<vmem>> -> memref<1x128xi32, #tpu.memory_space<vmem>>
      %dma_wait3A_571 = tpu.memref_squeeze %dma_wait3A_570 : memref<1x128xi32, #tpu.memory_space<vmem>> -> memref<128xi32, #tpu.memory_space<vmem>>
      %dma_wait3A_572 = arith.constant 0 : i32
      %dma_wait3A_573 = arith.constant 0 : i32
      %dma_wait3A_574 = tpu.memref_slice %arg3[%dma_wait3A_572, %dma_wait3A_573] : memref<1000000x64xf32, #tpu.memory_space<hbm>> -> memref<1000000x64xf32, #tpu.memory_space<hbm>>
      %dma_wait3A_575 = tpu.memref_slice %arg7[%dma_wait3A_564] : memref<10x!tpu.dma_semaphore, #tpu.memory_space<semaphore_mem>> -> memref<1x!tpu.dma_semaphore, #tpu.memory_space<semaphore_mem>>
      %dma_wait3A_576 = tpu.memref_squeeze %dma_wait3A_575 : memref<1x!tpu.dma_semaphore, #tpu.memory_space<semaphore_mem>> -> memref<!tpu.dma_semaphore, #tpu.memory_space<semaphore_mem>>
      tpu.wait_indirect_dma semaphore(%dma_wait3A_576 : memref<!tpu.dma_semaphore, #tpu.memory_space<semaphore_mem>>) src(%dma_wait3A_574 : memref<1000000x64xf32, #tpu.memory_space<hbm>>) dst(%dma_wait3A_568 : memref<128x64xf32, #tpu.memory_space<vmem>>)
      %add3A_577 = arith.constant 5 : i32
      %add3A_578 = arith.addi %mul3A_169, %add3A_577 : i32
      %mul3A_579 = arith.constant 128 : i32
      %mul3A_580 = arith.muli %add3A_578, %mul3A_579 : i32
      %add3A_581 = arith.addi %mul3A_2, %mul3A_580 : i32
      %dma_start3A_582 = arith.constant 5 : i32
      %dma_start3A_583 = arith.constant 5 : i32
      %dma_start3A_584 = arith.constant 0 : i32
      %dma_start3A_585 = arith.constant 0 : i32
      %dma_start3A_586 = tpu.memref_slice %arg6[%dma_start3A_582, %dma_start3A_584, %dma_start3A_585] : memref<10x128x64xf32, #tpu.memory_space<vmem>> -> memref<1x128x64xf32, #tpu.memory_space<vmem>>
      %dma_start3A_587 = tpu.memref_squeeze %dma_start3A_586 : memref<1x128x64xf32, #tpu.memory_space<vmem>> -> memref<128x64xf32, #tpu.memory_space<vmem>>
      %dma_start3A_588 = arith.constant 0 : i32
      %dma_start3A_589 = tpu.memref_slice %arg4[%add3A_581, %dma_start3A_588] : memref<819200x64xf32, #tpu.memory_space<hbm>> -> memref<128x64xf32, #tpu.memory_space<hbm>>
      %dma_start3A_590 = tpu.memref_slice %arg8[%dma_start3A_583] : memref<10x!tpu.dma_semaphore, #tpu.memory_space<semaphore_mem>> -> memref<1x!tpu.dma_semaphore, #tpu.memory_space<semaphore_mem>>
      %dma_start3A_591 = tpu.memref_squeeze %dma_start3A_590 : memref<1x!tpu.dma_semaphore, #tpu.memory_space<semaphore_mem>> -> memref<!tpu.dma_semaphore, #tpu.memory_space<semaphore_mem>>
      %dma_start3A_592 = arith.constant 0 : i32
      %dma_start3A_593 = tpu.memref_slice %arg4[%add3A_581, %dma_start3A_592] : memref<819200x64xf32, #tpu.memory_space<hbm>> -> memref<128x64xf32, #tpu.memory_space<hbm>>
      %dma_start3A_594 = arith.constant 0 : i32
      %dma_start3A_595 = arith.constant 0 : i32
      %dma_start3A_596 = tpu.memref_slice %arg6[%dma_start3A_582, %dma_start3A_594, %dma_start3A_595] : memref<10x128x64xf32, #tpu.memory_space<vmem>> -> memref<1x128x64xf32, #tpu.memory_space<vmem>>
      %dma_start3A_597 = tpu.memref_squeeze %dma_start3A_596 : memref<1x128x64xf32, #tpu.memory_space<vmem>> -> memref<128x64xf32, #tpu.memory_space<vmem>>
      tpu.enqueue_dma source(%dma_start3A_597 : memref<128x64xf32, #tpu.memory_space<vmem>>) target(%dma_start3A_593 : memref<128x64xf32, #tpu.memory_space<hbm>>) target_semaphore(%dma_start3A_591 : memref<!tpu.dma_semaphore, #tpu.memory_space<semaphore_mem>>)
      %add3A_598 = arith.constant 6 : i32
      %add3A_599 = arith.addi %mul3A_169, %add3A_598 : i32
      %dma_wait3A_600 = arith.constant 6 : i32
      %dma_wait3A_601 = arith.constant 6 : i32
      %dma_wait3A_602 = arith.constant 0 : i32
      %dma_wait3A_603 = arith.constant 0 : i32
      %dma_wait3A_604 = tpu.memref_slice %arg6[%dma_wait3A_600, %dma_wait3A_602, %dma_wait3A_603] : memref<10x128x64xf32, #tpu.memory_space<vmem>> -> memref<1x128x64xf32, #tpu.memory_space<vmem>>
      %dma_wait3A_605 = tpu.memref_squeeze %dma_wait3A_604 : memref<1x128x64xf32, #tpu.memory_space<vmem>> -> memref<128x64xf32, #tpu.memory_space<vmem>>
      %dma_wait3A_606 = arith.constant 0 : i32
      %dma_wait3A_607 = tpu.memref_slice %arg5[%add3A_599, %dma_wait3A_606] : memref<200x128xi32, #tpu.memory_space<vmem>> -> memref<1x128xi32, #tpu.memory_space<vmem>>
      %dma_wait3A_608 = tpu.memref_squeeze %dma_wait3A_607 : memref<1x128xi32, #tpu.memory_space<vmem>> -> memref<128xi32, #tpu.memory_space<vmem>>
      %dma_wait3A_609 = arith.constant 0 : i32
      %dma_wait3A_610 = arith.constant 0 : i32
      %dma_wait3A_611 = tpu.memref_slice %arg3[%dma_wait3A_609, %dma_wait3A_610] : memref<1000000x64xf32, #tpu.memory_space<hbm>> -> memref<1000000x64xf32, #tpu.memory_space<hbm>>
      %dma_wait3A_612 = tpu.memref_slice %arg7[%dma_wait3A_601] : memref<10x!tpu.dma_semaphore, #tpu.memory_space<semaphore_mem>> -> memref<1x!tpu.dma_semaphore, #tpu.memory_space<semaphore_mem>>
      %dma_wait3A_613 = tpu.memref_squeeze %dma_wait3A_612 : memref<1x!tpu.dma_semaphore, #tpu.memory_space<semaphore_mem>> -> memref<!tpu.dma_semaphore, #tpu.memory_space<semaphore_mem>>
      tpu.wait_indirect_dma semaphore(%dma_wait3A_613 : memref<!tpu.dma_semaphore, #tpu.memory_space<semaphore_mem>>) src(%dma_wait3A_611 : memref<1000000x64xf32, #tpu.memory_space<hbm>>) dst(%dma_wait3A_605 : memref<128x64xf32, #tpu.memory_space<vmem>>)
      %add3A_614 = arith.constant 6 : i32
      %add3A_615 = arith.addi %mul3A_169, %add3A_614 : i32
      %mul3A_616 = arith.constant 128 : i32
      %mul3A_617 = arith.muli %add3A_615, %mul3A_616 : i32
      %add3A_618 = arith.addi %mul3A_2, %mul3A_617 : i32
      %dma_start3A_619 = arith.constant 6 : i32
      %dma_start3A_620 = arith.constant 6 : i32
      %dma_start3A_621 = arith.constant 0 : i32
      %dma_start3A_622 = arith.constant 0 : i32
      %dma_start3A_623 = tpu.memref_slice %arg6[%dma_start3A_619, %dma_start3A_621, %dma_start3A_622] : memref<10x128x64xf32, #tpu.memory_space<vmem>> -> memref<1x128x64xf32, #tpu.memory_space<vmem>>
      %dma_start3A_624 = tpu.memref_squeeze %dma_start3A_623 : memref<1x128x64xf32, #tpu.memory_space<vmem>> -> memref<128x64xf32, #tpu.memory_space<vmem>>
      %dma_start3A_625 = arith.constant 0 : i32
      %dma_start3A_626 = tpu.memref_slice %arg4[%add3A_618, %dma_start3A_625] : memref<819200x64xf32, #tpu.memory_space<hbm>> -> memref<128x64xf32, #tpu.memory_space<hbm>>
      %dma_start3A_627 = tpu.memref_slice %arg8[%dma_start3A_620] : memref<10x!tpu.dma_semaphore, #tpu.memory_space<semaphore_mem>> -> memref<1x!tpu.dma_semaphore, #tpu.memory_space<semaphore_mem>>
      %dma_start3A_628 = tpu.memref_squeeze %dma_start3A_627 : memref<1x!tpu.dma_semaphore, #tpu.memory_space<semaphore_mem>> -> memref<!tpu.dma_semaphore, #tpu.memory_space<semaphore_mem>>
      %dma_start3A_629 = arith.constant 0 : i32
      %dma_start3A_630 = tpu.memref_slice %arg4[%add3A_618, %dma_start3A_629] : memref<819200x64xf32, #tpu.memory_space<hbm>> -> memref<128x64xf32, #tpu.memory_space<hbm>>
      %dma_start3A_631 = arith.constant 0 : i32
      %dma_start3A_632 = arith.constant 0 : i32
      %dma_start3A_633 = tpu.memref_slice %arg6[%dma_start3A_619, %dma_start3A_631, %dma_start3A_632] : memref<10x128x64xf32, #tpu.memory_space<vmem>> -> memref<1x128x64xf32, #tpu.memory_space<vmem>>
      %dma_start3A_634 = tpu.memref_squeeze %dma_start3A_633 : memref<1x128x64xf32, #tpu.memory_space<vmem>> -> memref<128x64xf32, #tpu.memory_space<vmem>>
      tpu.enqueue_dma source(%dma_start3A_634 : memref<128x64xf32, #tpu.memory_space<vmem>>) target(%dma_start3A_630 : memref<128x64xf32, #tpu.memory_space<hbm>>) target_semaphore(%dma_start3A_628 : memref<!tpu.dma_semaphore, #tpu.memory_space<semaphore_mem>>)
      %add3A_635 = arith.constant 7 : i32
      %add3A_636 = arith.addi %mul3A_169, %add3A_635 : i32
      %dma_wait3A_637 = arith.constant 7 : i32
      %dma_wait3A_638 = arith.constant 7 : i32
      %dma_wait3A_639 = arith.constant 0 : i32
      %dma_wait3A_640 = arith.constant 0 : i32
      %dma_wait3A_641 = tpu.memref_slice %arg6[%dma_wait3A_637, %dma_wait3A_639, %dma_wait3A_640] : memref<10x128x64xf32, #tpu.memory_space<vmem>> -> memref<1x128x64xf32, #tpu.memory_space<vmem>>
      %dma_wait3A_642 = tpu.memref_squeeze %dma_wait3A_641 : memref<1x128x64xf32, #tpu.memory_space<vmem>> -> memref<128x64xf32, #tpu.memory_space<vmem>>
      %dma_wait3A_643 = arith.constant 0 : i32
      %dma_wait3A_644 = tpu.memref_slice %arg5[%add3A_636, %dma_wait3A_643] : memref<200x128xi32, #tpu.memory_space<vmem>> -> memref<1x128xi32, #tpu.memory_space<vmem>>
      %dma_wait3A_645 = tpu.memref_squeeze %dma_wait3A_644 : memref<1x128xi32, #tpu.memory_space<vmem>> -> memref<128xi32, #tpu.memory_space<vmem>>
      %dma_wait3A_646 = arith.constant 0 : i32
      %dma_wait3A_647 = arith.constant 0 : i32
      %dma_wait3A_648 = tpu.memref_slice %arg3[%dma_wait3A_646, %dma_wait3A_647] : memref<1000000x64xf32, #tpu.memory_space<hbm>> -> memref<1000000x64xf32, #tpu.memory_space<hbm>>
      %dma_wait3A_649 = tpu.memref_slice %arg7[%dma_wait3A_638] : memref<10x!tpu.dma_semaphore, #tpu.memory_space<semaphore_mem>> -> memref<1x!tpu.dma_semaphore, #tpu.memory_space<semaphore_mem>>
      %dma_wait3A_650 = tpu.memref_squeeze %dma_wait3A_649 : memref<1x!tpu.dma_semaphore, #tpu.memory_space<semaphore_mem>> -> memref<!tpu.dma_semaphore, #tpu.memory_space<semaphore_mem>>
      tpu.wait_indirect_dma semaphore(%dma_wait3A_650 : memref<!tpu.dma_semaphore, #tpu.memory_space<semaphore_mem>>) src(%dma_wait3A_648 : memref<1000000x64xf32, #tpu.memory_space<hbm>>) dst(%dma_wait3A_642 : memref<128x64xf32, #tpu.memory_space<vmem>>)
      %add3A_651 = arith.constant 7 : i32
      %add3A_652 = arith.addi %mul3A_169, %add3A_651 : i32
      %mul3A_653 = arith.constant 128 : i32
      %mul3A_654 = arith.muli %add3A_652, %mul3A_653 : i32
      %add3A_655 = arith.addi %mul3A_2, %mul3A_654 : i32
      %dma_start3A_656 = arith.constant 7 : i32
      %dma_start3A_657 = arith.constant 7 : i32
      %dma_start3A_658 = arith.constant 0 : i32
      %dma_start3A_659 = arith.constant 0 : i32
      %dma_start3A_660 = tpu.memref_slice %arg6[%dma_start3A_656, %dma_start3A_658, %dma_start3A_659] : memref<10x128x64xf32, #tpu.memory_space<vmem>> -> memref<1x128x64xf32, #tpu.memory_space<vmem>>
      %dma_start3A_661 = tpu.memref_squeeze %dma_start3A_660 : memref<1x128x64xf32, #tpu.memory_space<vmem>> -> memref<128x64xf32, #tpu.memory_space<vmem>>
      %dma_start3A_662 = arith.constant 0 : i32
      %dma_start3A_663 = tpu.memref_slice %arg4[%add3A_655, %dma_start3A_662] : memref<819200x64xf32, #tpu.memory_space<hbm>> -> memref<128x64xf32, #tpu.memory_space<hbm>>
      %dma_start3A_664 = tpu.memref_slice %arg8[%dma_start3A_657] : memref<10x!tpu.dma_semaphore, #tpu.memory_space<semaphore_mem>> -> memref<1x!tpu.dma_semaphore, #tpu.memory_space<semaphore_mem>>
      %dma_start3A_665 = tpu.memref_squeeze %dma_start3A_664 : memref<1x!tpu.dma_semaphore, #tpu.memory_space<semaphore_mem>> -> memref<!tpu.dma_semaphore, #tpu.memory_space<semaphore_mem>>
      %dma_start3A_666 = arith.constant 0 : i32
      %dma_start3A_667 = tpu.memref_slice %arg4[%add3A_655, %dma_start3A_666] : memref<819200x64xf32, #tpu.memory_space<hbm>> -> memref<128x64xf32, #tpu.memory_space<hbm>>
      %dma_start3A_668 = arith.constant 0 : i32
      %dma_start3A_669 = arith.constant 0 : i32
      %dma_start3A_670 = tpu.memref_slice %arg6[%dma_start3A_656, %dma_start3A_668, %dma_start3A_669] : memref<10x128x64xf32, #tpu.memory_space<vmem>> -> memref<1x128x64xf32, #tpu.memory_space<vmem>>
      %dma_start3A_671 = tpu.memref_squeeze %dma_start3A_670 : memref<1x128x64xf32, #tpu.memory_space<vmem>> -> memref<128x64xf32, #tpu.memory_space<vmem>>
      tpu.enqueue_dma source(%dma_start3A_671 : memref<128x64xf32, #tpu.memory_space<vmem>>) target(%dma_start3A_667 : memref<128x64xf32, #tpu.memory_space<hbm>>) target_semaphore(%dma_start3A_665 : memref<!tpu.dma_semaphore, #tpu.memory_space<semaphore_mem>>)
      %add3A_672 = arith.constant 8 : i32
      %add3A_673 = arith.addi %mul3A_169, %add3A_672 : i32
      %dma_wait3A_674 = arith.constant 8 : i32
      %dma_wait3A_675 = arith.constant 8 : i32
      %dma_wait3A_676 = arith.constant 0 : i32
      %dma_wait3A_677 = arith.constant 0 : i32
      %dma_wait3A_678 = tpu.memref_slice %arg6[%dma_wait3A_674, %dma_wait3A_676, %dma_wait3A_677] : memref<10x128x64xf32, #tpu.memory_space<vmem>> -> memref<1x128x64xf32, #tpu.memory_space<vmem>>
      %dma_wait3A_679 = tpu.memref_squeeze %dma_wait3A_678 : memref<1x128x64xf32, #tpu.memory_space<vmem>> -> memref<128x64xf32, #tpu.memory_space<vmem>>
      %dma_wait3A_680 = arith.constant 0 : i32
      %dma_wait3A_681 = tpu.memref_slice %arg5[%add3A_673, %dma_wait3A_680] : memref<200x128xi32, #tpu.memory_space<vmem>> -> memref<1x128xi32, #tpu.memory_space<vmem>>
      %dma_wait3A_682 = tpu.memref_squeeze %dma_wait3A_681 : memref<1x128xi32, #tpu.memory_space<vmem>> -> memref<128xi32, #tpu.memory_space<vmem>>
      %dma_wait3A_683 = arith.constant 0 : i32
      %dma_wait3A_684 = arith.constant 0 : i32
      %dma_wait3A_685 = tpu.memref_slice %arg3[%dma_wait3A_683, %dma_wait3A_684] : memref<1000000x64xf32, #tpu.memory_space<hbm>> -> memref<1000000x64xf32, #tpu.memory_space<hbm>>
      %dma_wait3A_686 = tpu.memref_slice %arg7[%dma_wait3A_675] : memref<10x!tpu.dma_semaphore, #tpu.memory_space<semaphore_mem>> -> memref<1x!tpu.dma_semaphore, #tpu.memory_space<semaphore_mem>>
      %dma_wait3A_687 = tpu.memref_squeeze %dma_wait3A_686 : memref<1x!tpu.dma_semaphore, #tpu.memory_space<semaphore_mem>> -> memref<!tpu.dma_semaphore, #tpu.memory_space<semaphore_mem>>
      tpu.wait_indirect_dma semaphore(%dma_wait3A_687 : memref<!tpu.dma_semaphore, #tpu.memory_space<semaphore_mem>>) src(%dma_wait3A_685 : memref<1000000x64xf32, #tpu.memory_space<hbm>>) dst(%dma_wait3A_679 : memref<128x64xf32, #tpu.memory_space<vmem>>)
      %add3A_688 = arith.constant 8 : i32
      %add3A_689 = arith.addi %mul3A_169, %add3A_688 : i32
      %mul3A_690 = arith.constant 128 : i32
      %mul3A_691 = arith.muli %add3A_689, %mul3A_690 : i32
      %add3A_692 = arith.addi %mul3A_2, %mul3A_691 : i32
      %dma_start3A_693 = arith.constant 8 : i32
      %dma_start3A_694 = arith.constant 8 : i32
      %dma_start3A_695 = arith.constant 0 : i32
      %dma_start3A_696 = arith.constant 0 : i32
      %dma_start3A_697 = tpu.memref_slice %arg6[%dma_start3A_693, %dma_start3A_695, %dma_start3A_696] : memref<10x128x64xf32, #tpu.memory_space<vmem>> -> memref<1x128x64xf32, #tpu.memory_space<vmem>>
      %dma_start3A_698 = tpu.memref_squeeze %dma_start3A_697 : memref<1x128x64xf32, #tpu.memory_space<vmem>> -> memref<128x64xf32, #tpu.memory_space<vmem>>
      %dma_start3A_699 = arith.constant 0 : i32
      %dma_start3A_700 = tpu.memref_slice %arg4[%add3A_692, %dma_start3A_699] : memref<819200x64xf32, #tpu.memory_space<hbm>> -> memref<128x64xf32, #tpu.memory_space<hbm>>
      %dma_start3A_701 = tpu.memref_slice %arg8[%dma_start3A_694] : memref<10x!tpu.dma_semaphore, #tpu.memory_space<semaphore_mem>> -> memref<1x!tpu.dma_semaphore, #tpu.memory_space<semaphore_mem>>
      %dma_start3A_702 = tpu.memref_squeeze %dma_start3A_701 : memref<1x!tpu.dma_semaphore, #tpu.memory_space<semaphore_mem>> -> memref<!tpu.dma_semaphore, #tpu.memory_space<semaphore_mem>>
      %dma_start3A_703 = arith.constant 0 : i32
      %dma_start3A_704 = tpu.memref_slice %arg4[%add3A_692, %dma_start3A_703] : memref<819200x64xf32, #tpu.memory_space<hbm>> -> memref<128x64xf32, #tpu.memory_space<hbm>>
      %dma_start3A_705 = arith.constant 0 : i32
      %dma_start3A_706 = arith.constant 0 : i32
      %dma_start3A_707 = tpu.memref_slice %arg6[%dma_start3A_693, %dma_start3A_705, %dma_start3A_706] : memref<10x128x64xf32, #tpu.memory_space<vmem>> -> memref<1x128x64xf32, #tpu.memory_space<vmem>>
      %dma_start3A_708 = tpu.memref_squeeze %dma_start3A_707 : memref<1x128x64xf32, #tpu.memory_space<vmem>> -> memref<128x64xf32, #tpu.memory_space<vmem>>
      tpu.enqueue_dma source(%dma_start3A_708 : memref<128x64xf32, #tpu.memory_space<vmem>>) target(%dma_start3A_704 : memref<128x64xf32, #tpu.memory_space<hbm>>) target_semaphore(%dma_start3A_702 : memref<!tpu.dma_semaphore, #tpu.memory_space<semaphore_mem>>)
      %add3A_709 = arith.constant 9 : i32
      %add3A_710 = arith.addi %mul3A_169, %add3A_709 : i32
      %dma_wait3A_711 = arith.constant 9 : i32
      %dma_wait3A_712 = arith.constant 9 : i32
      %dma_wait3A_713 = arith.constant 0 : i32
      %dma_wait3A_714 = arith.constant 0 : i32
      %dma_wait3A_715 = tpu.memref_slice %arg6[%dma_wait3A_711, %dma_wait3A_713, %dma_wait3A_714] : memref<10x128x64xf32, #tpu.memory_space<vmem>> -> memref<1x128x64xf32, #tpu.memory_space<vmem>>
      %dma_wait3A_716 = tpu.memref_squeeze %dma_wait3A_715 : memref<1x128x64xf32, #tpu.memory_space<vmem>> -> memref<128x64xf32, #tpu.memory_space<vmem>>
      %dma_wait3A_717 = arith.constant 0 : i32
      %dma_wait3A_718 = tpu.memref_slice %arg5[%add3A_710, %dma_wait3A_717] : memref<200x128xi32, #tpu.memory_space<vmem>> -> memref<1x128xi32, #tpu.memory_space<vmem>>
      %dma_wait3A_719 = tpu.memref_squeeze %dma_wait3A_718 : memref<1x128xi32, #tpu.memory_space<vmem>> -> memref<128xi32, #tpu.memory_space<vmem>>
      %dma_wait3A_720 = arith.constant 0 : i32
      %dma_wait3A_721 = arith.constant 0 : i32
      %dma_wait3A_722 = tpu.memref_slice %arg3[%dma_wait3A_720, %dma_wait3A_721] : memref<1000000x64xf32, #tpu.memory_space<hbm>> -> memref<1000000x64xf32, #tpu.memory_space<hbm>>
      %dma_wait3A_723 = tpu.memref_slice %arg7[%dma_wait3A_712] : memref<10x!tpu.dma_semaphore, #tpu.memory_space<semaphore_mem>> -> memref<1x!tpu.dma_semaphore, #tpu.memory_space<semaphore_mem>>
      %dma_wait3A_724 = tpu.memref_squeeze %dma_wait3A_723 : memref<1x!tpu.dma_semaphore, #tpu.memory_space<semaphore_mem>> -> memref<!tpu.dma_semaphore, #tpu.memory_space<semaphore_mem>>
      tpu.wait_indirect_dma semaphore(%dma_wait3A_724 : memref<!tpu.dma_semaphore, #tpu.memory_space<semaphore_mem>>) src(%dma_wait3A_722 : memref<1000000x64xf32, #tpu.memory_space<hbm>>) dst(%dma_wait3A_716 : memref<128x64xf32, #tpu.memory_space<vmem>>)
      %add3A_725 = arith.constant 9 : i32
      %add3A_726 = arith.addi %mul3A_169, %add3A_725 : i32
      %mul3A_727 = arith.constant 128 : i32
      %mul3A_728 = arith.muli %add3A_726, %mul3A_727 : i32
      %add3A_729 = arith.addi %mul3A_2, %mul3A_728 : i32
      %dma_start3A_730 = arith.constant 9 : i32
      %dma_start3A_731 = arith.constant 9 : i32
      %dma_start3A_732 = arith.constant 0 : i32
      %dma_start3A_733 = arith.constant 0 : i32
      %dma_start3A_734 = tpu.memref_slice %arg6[%dma_start3A_730, %dma_start3A_732, %dma_start3A_733] : memref<10x128x64xf32, #tpu.memory_space<vmem>> -> memref<1x128x64xf32, #tpu.memory_space<vmem>>
      %dma_start3A_735 = tpu.memref_squeeze %dma_start3A_734 : memref<1x128x64xf32, #tpu.memory_space<vmem>> -> memref<128x64xf32, #tpu.memory_space<vmem>>
      %dma_start3A_736 = arith.constant 0 : i32
      %dma_start3A_737 = tpu.memref_slice %arg4[%add3A_729, %dma_start3A_736] : memref<819200x64xf32, #tpu.memory_space<hbm>> -> memref<128x64xf32, #tpu.memory_space<hbm>>
      %dma_start3A_738 = tpu.memref_slice %arg8[%dma_start3A_731] : memref<10x!tpu.dma_semaphore, #tpu.memory_space<semaphore_mem>> -> memref<1x!tpu.dma_semaphore, #tpu.memory_space<semaphore_mem>>
      %dma_start3A_739 = tpu.memref_squeeze %dma_start3A_738 : memref<1x!tpu.dma_semaphore, #tpu.memory_space<semaphore_mem>> -> memref<!tpu.dma_semaphore, #tpu.memory_space<semaphore_mem>>
      %dma_start3A_740 = arith.constant 0 : i32
      %dma_start3A_741 = tpu.memref_slice %arg4[%add3A_729, %dma_start3A_740] : memref<819200x64xf32, #tpu.memory_space<hbm>> -> memref<128x64xf32, #tpu.memory_space<hbm>>
      %dma_start3A_742 = arith.constant 0 : i32
      %dma_start3A_743 = arith.constant 0 : i32
      %dma_start3A_744 = tpu.memref_slice %arg6[%dma_start3A_730, %dma_start3A_742, %dma_start3A_743] : memref<10x128x64xf32, #tpu.memory_space<vmem>> -> memref<1x128x64xf32, #tpu.memory_space<vmem>>
      %dma_start3A_745 = tpu.memref_squeeze %dma_start3A_744 : memref<1x128x64xf32, #tpu.memory_space<vmem>> -> memref<128x64xf32, #tpu.memory_space<vmem>>
      tpu.enqueue_dma source(%dma_start3A_745 : memref<128x64xf32, #tpu.memory_space<vmem>>) target(%dma_start3A_741 : memref<128x64xf32, #tpu.memory_space<hbm>>) target_semaphore(%dma_start3A_739 : memref<!tpu.dma_semaphore, #tpu.memory_space<semaphore_mem>>)
    }
    %scan3A_7 = arith.constant 20 : i32
    %dma_wait3A = arith.constant 0 : i32
    %dma_wait3A_8 = arith.constant 0 : i32
    %dma_wait3A_9 = arith.constant 0 : i32
    %dma_wait3A_10 = arith.constant 0 : i32
    %dma_wait3A_11 = tpu.memref_slice %arg6[%dma_wait3A, %dma_wait3A_9, %dma_wait3A_10] : memref<10x128x64xf32, #tpu.memory_space<vmem>> -> memref<1x128x64xf32, #tpu.memory_space<vmem>>
    %dma_wait3A_12 = tpu.memref_squeeze %dma_wait3A_11 : memref<1x128x64xf32, #tpu.memory_space<vmem>> -> memref<128x64xf32, #tpu.memory_space<vmem>>
    %dma_wait3A_13 = arith.constant 0 : i32
    %dma_wait3A_14 = tpu.memref_slice %arg4[%mul3A_2, %dma_wait3A_13] : memref<819200x64xf32, #tpu.memory_space<hbm>> -> memref<128x64xf32, #tpu.memory_space<hbm>>
    %dma_wait3A_15 = tpu.memref_slice %arg8[%dma_wait3A_8] : memref<10x!tpu.dma_semaphore, #tpu.memory_space<semaphore_mem>> -> memref<1x!tpu.dma_semaphore, #tpu.memory_space<semaphore_mem>>
    %dma_wait3A_16 = tpu.memref_squeeze %dma_wait3A_15 : memref<1x!tpu.dma_semaphore, #tpu.memory_space<semaphore_mem>> -> memref<!tpu.dma_semaphore, #tpu.memory_space<semaphore_mem>>
    %dma_wait3A_17 = arith.constant 0 : i32
    %dma_wait3A_18 = tpu.memref_slice %arg4[%mul3A_2, %dma_wait3A_17] : memref<819200x64xf32, #tpu.memory_space<hbm>> -> memref<128x64xf32, #tpu.memory_space<hbm>>
    %dma_wait3A_19 = arith.constant 0 : i32
    %dma_wait3A_20 = arith.constant 0 : i32
    %dma_wait3A_21 = tpu.memref_slice %arg6[%dma_wait3A, %dma_wait3A_19, %dma_wait3A_20] : memref<10x128x64xf32, #tpu.memory_space<vmem>> -> memref<1x128x64xf32, #tpu.memory_space<vmem>>
    %dma_wait3A_22 = tpu.memref_squeeze %dma_wait3A_21 : memref<1x128x64xf32, #tpu.memory_space<vmem>> -> memref<128x64xf32, #tpu.memory_space<vmem>>
    tpu.wait_dma2 semaphore(%dma_wait3A_16 : memref<!tpu.dma_semaphore, #tpu.memory_space<semaphore_mem>>) src(%dma_wait3A_22 : memref<128x64xf32, #tpu.memory_space<vmem>>) dst(%dma_wait3A_18 : memref<128x64xf32, #tpu.memory_space<hbm>>)
    %dma_wait3A_23 = arith.constant 1 : i32
    %dma_wait3A_24 = arith.constant 1 : i32
    %dma_wait3A_25 = arith.constant 0 : i32
    %dma_wait3A_26 = arith.constant 0 : i32
    %dma_wait3A_27 = tpu.memref_slice %arg6[%dma_wait3A_23, %dma_wait3A_25, %dma_wait3A_26] : memref<10x128x64xf32, #tpu.memory_space<vmem>> -> memref<1x128x64xf32, #tpu.memory_space<vmem>>
    %dma_wait3A_28 = tpu.memref_squeeze %dma_wait3A_27 : memref<1x128x64xf32, #tpu.memory_space<vmem>> -> memref<128x64xf32, #tpu.memory_space<vmem>>
    %dma_wait3A_29 = arith.constant 0 : i32
    %dma_wait3A_30 = tpu.memref_slice %arg4[%mul3A_2, %dma_wait3A_29] : memref<819200x64xf32, #tpu.memory_space<hbm>> -> memref<128x64xf32, #tpu.memory_space<hbm>>
    %dma_wait3A_31 = tpu.memref_slice %arg8[%dma_wait3A_24] : memref<10x!tpu.dma_semaphore, #tpu.memory_space<semaphore_mem>> -> memref<1x!tpu.dma_semaphore, #tpu.memory_space<semaphore_mem>>
    %dma_wait3A_32 = tpu.memref_squeeze %dma_wait3A_31 : memref<1x!tpu.dma_semaphore, #tpu.memory_space<semaphore_mem>> -> memref<!tpu.dma_semaphore, #tpu.memory_space<semaphore_mem>>
    %dma_wait3A_33 = arith.constant 0 : i32
    %dma_wait3A_34 = tpu.memref_slice %arg4[%mul3A_2, %dma_wait3A_33] : memref<819200x64xf32, #tpu.memory_space<hbm>> -> memref<128x64xf32, #tpu.memory_space<hbm>>
    %dma_wait3A_35 = arith.constant 0 : i32
    %dma_wait3A_36 = arith.constant 0 : i32
    %dma_wait3A_37 = tpu.memref_slice %arg6[%dma_wait3A_23, %dma_wait3A_35, %dma_wait3A_36] : memref<10x128x64xf32, #tpu.memory_space<vmem>> -> memref<1x128x64xf32, #tpu.memory_space<vmem>>
    %dma_wait3A_38 = tpu.memref_squeeze %dma_wait3A_37 : memref<1x128x64xf32, #tpu.memory_space<vmem>> -> memref<128x64xf32, #tpu.memory_space<vmem>>
    tpu.wait_dma2 semaphore(%dma_wait3A_32 : memref<!tpu.dma_semaphore, #tpu.memory_space<semaphore_mem>>) src(%dma_wait3A_38 : memref<128x64xf32, #tpu.memory_space<vmem>>) dst(%dma_wait3A_34 : memref<128x64xf32, #tpu.memory_space<hbm>>)
    %dma_wait3A_39 = arith.constant 2 : i32
    %dma_wait3A_40 = arith.constant 2 : i32
    %dma_wait3A_41 = arith.constant 0 : i32
    %dma_wait3A_42 = arith.constant 0 : i32
    %dma_wait3A_43 = tpu.memref_slice %arg6[%dma_wait3A_39, %dma_wait3A_41, %dma_wait3A_42] : memref<10x128x64xf32, #tpu.memory_space<vmem>> -> memref<1x128x64xf32, #tpu.memory_space<vmem>>
    %dma_wait3A_44 = tpu.memref_squeeze %dma_wait3A_43 : memref<1x128x64xf32, #tpu.memory_space<vmem>> -> memref<128x64xf32, #tpu.memory_space<vmem>>
    %dma_wait3A_45 = arith.constant 0 : i32
    %dma_wait3A_46 = tpu.memref_slice %arg4[%mul3A_2, %dma_wait3A_45] : memref<819200x64xf32, #tpu.memory_space<hbm>> -> memref<128x64xf32, #tpu.memory_space<hbm>>
    %dma_wait3A_47 = tpu.memref_slice %arg8[%dma_wait3A_40] : memref<10x!tpu.dma_semaphore, #tpu.memory_space<semaphore_mem>> -> memref<1x!tpu.dma_semaphore, #tpu.memory_space<semaphore_mem>>
    %dma_wait3A_48 = tpu.memref_squeeze %dma_wait3A_47 : memref<1x!tpu.dma_semaphore, #tpu.memory_space<semaphore_mem>> -> memref<!tpu.dma_semaphore, #tpu.memory_space<semaphore_mem>>
    %dma_wait3A_49 = arith.constant 0 : i32
    %dma_wait3A_50 = tpu.memref_slice %arg4[%mul3A_2, %dma_wait3A_49] : memref<819200x64xf32, #tpu.memory_space<hbm>> -> memref<128x64xf32, #tpu.memory_space<hbm>>
    %dma_wait3A_51 = arith.constant 0 : i32
    %dma_wait3A_52 = arith.constant 0 : i32
    %dma_wait3A_53 = tpu.memref_slice %arg6[%dma_wait3A_39, %dma_wait3A_51, %dma_wait3A_52] : memref<10x128x64xf32, #tpu.memory_space<vmem>> -> memref<1x128x64xf32, #tpu.memory_space<vmem>>
    %dma_wait3A_54 = tpu.memref_squeeze %dma_wait3A_53 : memref<1x128x64xf32, #tpu.memory_space<vmem>> -> memref<128x64xf32, #tpu.memory_space<vmem>>
    tpu.wait_dma2 semaphore(%dma_wait3A_48 : memref<!tpu.dma_semaphore, #tpu.memory_space<semaphore_mem>>) src(%dma_wait3A_54 : memref<128x64xf32, #tpu.memory_space<vmem>>) dst(%dma_wait3A_50 : memref<128x64xf32, #tpu.memory_space<hbm>>)
    %dma_wait3A_55 = arith.constant 3 : i32
    %dma_wait3A_56 = arith.constant 3 : i32
    %dma_wait3A_57 = arith.constant 0 : i32
    %dma_wait3A_58 = arith.constant 0 : i32
    %dma_wait3A_59 = tpu.memref_slice %arg6[%dma_wait3A_55, %dma_wait3A_57, %dma_wait3A_58] : memref<10x128x64xf32, #tpu.memory_space<vmem>> -> memref<1x128x64xf32, #tpu.memory_space<vmem>>
    %dma_wait3A_60 = tpu.memref_squeeze %dma_wait3A_59 : memref<1x128x64xf32, #tpu.memory_space<vmem>> -> memref<128x64xf32, #tpu.memory_space<vmem>>
    %dma_wait3A_61 = arith.constant 0 : i32
    %dma_wait3A_62 = tpu.memref_slice %arg4[%mul3A_2, %dma_wait3A_61] : memref<819200x64xf32, #tpu.memory_space<hbm>> -> memref<128x64xf32, #tpu.memory_space<hbm>>
    %dma_wait3A_63 = tpu.memref_slice %arg8[%dma_wait3A_56] : memref<10x!tpu.dma_semaphore, #tpu.memory_space<semaphore_mem>> -> memref<1x!tpu.dma_semaphore, #tpu.memory_space<semaphore_mem>>
    %dma_wait3A_64 = tpu.memref_squeeze %dma_wait3A_63 : memref<1x!tpu.dma_semaphore, #tpu.memory_space<semaphore_mem>> -> memref<!tpu.dma_semaphore, #tpu.memory_space<semaphore_mem>>
    %dma_wait3A_65 = arith.constant 0 : i32
    %dma_wait3A_66 = tpu.memref_slice %arg4[%mul3A_2, %dma_wait3A_65] : memref<819200x64xf32, #tpu.memory_space<hbm>> -> memref<128x64xf32, #tpu.memory_space<hbm>>
    %dma_wait3A_67 = arith.constant 0 : i32
    %dma_wait3A_68 = arith.constant 0 : i32
    %dma_wait3A_69 = tpu.memref_slice %arg6[%dma_wait3A_55, %dma_wait3A_67, %dma_wait3A_68] : memref<10x128x64xf32, #tpu.memory_space<vmem>> -> memref<1x128x64xf32, #tpu.memory_space<vmem>>
    %dma_wait3A_70 = tpu.memref_squeeze %dma_wait3A_69 : memref<1x128x64xf32, #tpu.memory_space<vmem>> -> memref<128x64xf32, #tpu.memory_space<vmem>>
    tpu.wait_dma2 semaphore(%dma_wait3A_64 : memref<!tpu.dma_semaphore, #tpu.memory_space<semaphore_mem>>) src(%dma_wait3A_70 : memref<128x64xf32, #tpu.memory_space<vmem>>) dst(%dma_wait3A_66 : memref<128x64xf32, #tpu.memory_space<hbm>>)
    %dma_wait3A_71 = arith.constant 4 : i32
    %dma_wait3A_72 = arith.constant 4 : i32
    %dma_wait3A_73 = arith.constant 0 : i32
    %dma_wait3A_74 = arith.constant 0 : i32
    %dma_wait3A_75 = tpu.memref_slice %arg6[%dma_wait3A_71, %dma_wait3A_73, %dma_wait3A_74] : memref<10x128x64xf32, #tpu.memory_space<vmem>> -> memref<1x128x64xf32, #tpu.memory_space<vmem>>
    %dma_wait3A_76 = tpu.memref_squeeze %dma_wait3A_75 : memref<1x128x64xf32, #tpu.memory_space<vmem>> -> memref<128x64xf32, #tpu.memory_space<vmem>>
    %dma_wait3A_77 = arith.constant 0 : i32
    %dma_wait3A_78 = tpu.memref_slice %arg4[%mul3A_2, %dma_wait3A_77] : memref<819200x64xf32, #tpu.memory_space<hbm>> -> memref<128x64xf32, #tpu.memory_space<hbm>>
    %dma_wait3A_79 = tpu.memref_slice %arg8[%dma_wait3A_72] : memref<10x!tpu.dma_semaphore, #tpu.memory_space<semaphore_mem>> -> memref<1x!tpu.dma_semaphore, #tpu.memory_space<semaphore_mem>>
    %dma_wait3A_80 = tpu.memref_squeeze %dma_wait3A_79 : memref<1x!tpu.dma_semaphore, #tpu.memory_space<semaphore_mem>> -> memref<!tpu.dma_semaphore, #tpu.memory_space<semaphore_mem>>
    %dma_wait3A_81 = arith.constant 0 : i32
    %dma_wait3A_82 = tpu.memref_slice %arg4[%mul3A_2, %dma_wait3A_81] : memref<819200x64xf32, #tpu.memory_space<hbm>> -> memref<128x64xf32, #tpu.memory_space<hbm>>
    %dma_wait3A_83 = arith.constant 0 : i32
    %dma_wait3A_84 = arith.constant 0 : i32
    %dma_wait3A_85 = tpu.memref_slice %arg6[%dma_wait3A_71, %dma_wait3A_83, %dma_wait3A_84] : memref<10x128x64xf32, #tpu.memory_space<vmem>> -> memref<1x128x64xf32, #tpu.memory_space<vmem>>
    %dma_wait3A_86 = tpu.memref_squeeze %dma_wait3A_85 : memref<1x128x64xf32, #tpu.memory_space<vmem>> -> memref<128x64xf32, #tpu.memory_space<vmem>>
    tpu.wait_dma2 semaphore(%dma_wait3A_80 : memref<!tpu.dma_semaphore, #tpu.memory_space<semaphore_mem>>) src(%dma_wait3A_86 : memref<128x64xf32, #tpu.memory_space<vmem>>) dst(%dma_wait3A_82 : memref<128x64xf32, #tpu.memory_space<hbm>>)
    %dma_wait3A_87 = arith.constant 5 : i32
    %dma_wait3A_88 = arith.constant 5 : i32
    %dma_wait3A_89 = arith.constant 0 : i32
    %dma_wait3A_90 = arith.constant 0 : i32
    %dma_wait3A_91 = tpu.memref_slice %arg6[%dma_wait3A_87, %dma_wait3A_89, %dma_wait3A_90] : memref<10x128x64xf32, #tpu.memory_space<vmem>> -> memref<1x128x64xf32, #tpu.memory_space<vmem>>
    %dma_wait3A_92 = tpu.memref_squeeze %dma_wait3A_91 : memref<1x128x64xf32, #tpu.memory_space<vmem>> -> memref<128x64xf32, #tpu.memory_space<vmem>>
    %dma_wait3A_93 = arith.constant 0 : i32
    %dma_wait3A_94 = tpu.memref_slice %arg4[%mul3A_2, %dma_wait3A_93] : memref<819200x64xf32, #tpu.memory_space<hbm>> -> memref<128x64xf32, #tpu.memory_space<hbm>>
    %dma_wait3A_95 = tpu.memref_slice %arg8[%dma_wait3A_88] : memref<10x!tpu.dma_semaphore, #tpu.memory_space<semaphore_mem>> -> memref<1x!tpu.dma_semaphore, #tpu.memory_space<semaphore_mem>>
    %dma_wait3A_96 = tpu.memref_squeeze %dma_wait3A_95 : memref<1x!tpu.dma_semaphore, #tpu.memory_space<semaphore_mem>> -> memref<!tpu.dma_semaphore, #tpu.memory_space<semaphore_mem>>
    %dma_wait3A_97 = arith.constant 0 : i32
    %dma_wait3A_98 = tpu.memref_slice %arg4[%mul3A_2, %dma_wait3A_97] : memref<819200x64xf32, #tpu.memory_space<hbm>> -> memref<128x64xf32, #tpu.memory_space<hbm>>
    %dma_wait3A_99 = arith.constant 0 : i32
    %dma_wait3A_100 = arith.constant 0 : i32
    %dma_wait3A_101 = tpu.memref_slice %arg6[%dma_wait3A_87, %dma_wait3A_99, %dma_wait3A_100] : memref<10x128x64xf32, #tpu.memory_space<vmem>> -> memref<1x128x64xf32, #tpu.memory_space<vmem>>
    %dma_wait3A_102 = tpu.memref_squeeze %dma_wait3A_101 : memref<1x128x64xf32, #tpu.memory_space<vmem>> -> memref<128x64xf32, #tpu.memory_space<vmem>>
    tpu.wait_dma2 semaphore(%dma_wait3A_96 : memref<!tpu.dma_semaphore, #tpu.memory_space<semaphore_mem>>) src(%dma_wait3A_102 : memref<128x64xf32, #tpu.memory_space<vmem>>) dst(%dma_wait3A_98 : memref<128x64xf32, #tpu.memory_space<hbm>>)
    %dma_wait3A_103 = arith.constant 6 : i32
    %dma_wait3A_104 = arith.constant 6 : i32
    %dma_wait3A_105 = arith.constant 0 : i32
    %dma_wait3A_106 = arith.constant 0 : i32
    %dma_wait3A_107 = tpu.memref_slice %arg6[%dma_wait3A_103, %dma_wait3A_105, %dma_wait3A_106] : memref<10x128x64xf32, #tpu.memory_space<vmem>> -> memref<1x128x64xf32, #tpu.memory_space<vmem>>
    %dma_wait3A_108 = tpu.memref_squeeze %dma_wait3A_107 : memref<1x128x64xf32, #tpu.memory_space<vmem>> -> memref<128x64xf32, #tpu.memory_space<vmem>>
    %dma_wait3A_109 = arith.constant 0 : i32
    %dma_wait3A_110 = tpu.memref_slice %arg4[%mul3A_2, %dma_wait3A_109] : memref<819200x64xf32, #tpu.memory_space<hbm>> -> memref<128x64xf32, #tpu.memory_space<hbm>>
    %dma_wait3A_111 = tpu.memref_slice %arg8[%dma_wait3A_104] : memref<10x!tpu.dma_semaphore, #tpu.memory_space<semaphore_mem>> -> memref<1x!tpu.dma_semaphore, #tpu.memory_space<semaphore_mem>>
    %dma_wait3A_112 = tpu.memref_squeeze %dma_wait3A_111 : memref<1x!tpu.dma_semaphore, #tpu.memory_space<semaphore_mem>> -> memref<!tpu.dma_semaphore, #tpu.memory_space<semaphore_mem>>
    %dma_wait3A_113 = arith.constant 0 : i32
    %dma_wait3A_114 = tpu.memref_slice %arg4[%mul3A_2, %dma_wait3A_113] : memref<819200x64xf32, #tpu.memory_space<hbm>> -> memref<128x64xf32, #tpu.memory_space<hbm>>
    %dma_wait3A_115 = arith.constant 0 : i32
    %dma_wait3A_116 = arith.constant 0 : i32
    %dma_wait3A_117 = tpu.memref_slice %arg6[%dma_wait3A_103, %dma_wait3A_115, %dma_wait3A_116] : memref<10x128x64xf32, #tpu.memory_space<vmem>> -> memref<1x128x64xf32, #tpu.memory_space<vmem>>
    %dma_wait3A_118 = tpu.memref_squeeze %dma_wait3A_117 : memref<1x128x64xf32, #tpu.memory_space<vmem>> -> memref<128x64xf32, #tpu.memory_space<vmem>>
    tpu.wait_dma2 semaphore(%dma_wait3A_112 : memref<!tpu.dma_semaphore, #tpu.memory_space<semaphore_mem>>) src(%dma_wait3A_118 : memref<128x64xf32, #tpu.memory_space<vmem>>) dst(%dma_wait3A_114 : memref<128x64xf32, #tpu.memory_space<hbm>>)
    %dma_wait3A_119 = arith.constant 7 : i32
    %dma_wait3A_120 = arith.constant 7 : i32
    %dma_wait3A_121 = arith.constant 0 : i32
    %dma_wait3A_122 = arith.constant 0 : i32
    %dma_wait3A_123 = tpu.memref_slice %arg6[%dma_wait3A_119, %dma_wait3A_121, %dma_wait3A_122] : memref<10x128x64xf32, #tpu.memory_space<vmem>> -> memref<1x128x64xf32, #tpu.memory_space<vmem>>
    %dma_wait3A_124 = tpu.memref_squeeze %dma_wait3A_123 : memref<1x128x64xf32, #tpu.memory_space<vmem>> -> memref<128x64xf32, #tpu.memory_space<vmem>>
    %dma_wait3A_125 = arith.constant 0 : i32
    %dma_wait3A_126 = tpu.memref_slice %arg4[%mul3A_2, %dma_wait3A_125] : memref<819200x64xf32, #tpu.memory_space<hbm>> -> memref<128x64xf32, #tpu.memory_space<hbm>>
    %dma_wait3A_127 = tpu.memref_slice %arg8[%dma_wait3A_120] : memref<10x!tpu.dma_semaphore, #tpu.memory_space<semaphore_mem>> -> memref<1x!tpu.dma_semaphore, #tpu.memory_space<semaphore_mem>>
    %dma_wait3A_128 = tpu.memref_squeeze %dma_wait3A_127 : memref<1x!tpu.dma_semaphore, #tpu.memory_space<semaphore_mem>> -> memref<!tpu.dma_semaphore, #tpu.memory_space<semaphore_mem>>
    %dma_wait3A_129 = arith.constant 0 : i32
    %dma_wait3A_130 = tpu.memref_slice %arg4[%mul3A_2, %dma_wait3A_129] : memref<819200x64xf32, #tpu.memory_space<hbm>> -> memref<128x64xf32, #tpu.memory_space<hbm>>
    %dma_wait3A_131 = arith.constant 0 : i32
    %dma_wait3A_132 = arith.constant 0 : i32
    %dma_wait3A_133 = tpu.memref_slice %arg6[%dma_wait3A_119, %dma_wait3A_131, %dma_wait3A_132] : memref<10x128x64xf32, #tpu.memory_space<vmem>> -> memref<1x128x64xf32, #tpu.memory_space<vmem>>
    %dma_wait3A_134 = tpu.memref_squeeze %dma_wait3A_133 : memref<1x128x64xf32, #tpu.memory_space<vmem>> -> memref<128x64xf32, #tpu.memory_space<vmem>>
    tpu.wait_dma2 semaphore(%dma_wait3A_128 : memref<!tpu.dma_semaphore, #tpu.memory_space<semaphore_mem>>) src(%dma_wait3A_134 : memref<128x64xf32, #tpu.memory_space<vmem>>) dst(%dma_wait3A_130 : memref<128x64xf32, #tpu.memory_space<hbm>>)
    %dma_wait3A_135 = arith.constant 8 : i32
    %dma_wait3A_136 = arith.constant 8 : i32
    %dma_wait3A_137 = arith.constant 0 : i32
    %dma_wait3A_138 = arith.constant 0 : i32
    %dma_wait3A_139 = tpu.memref_slice %arg6[%dma_wait3A_135, %dma_wait3A_137, %dma_wait3A_138] : memref<10x128x64xf32, #tpu.memory_space<vmem>> -> memref<1x128x64xf32, #tpu.memory_space<vmem>>
    %dma_wait3A_140 = tpu.memref_squeeze %dma_wait3A_139 : memref<1x128x64xf32, #tpu.memory_space<vmem>> -> memref<128x64xf32, #tpu.memory_space<vmem>>
    %dma_wait3A_141 = arith.constant 0 : i32
    %dma_wait3A_142 = tpu.memref_slice %arg4[%mul3A_2, %dma_wait3A_141] : memref<819200x64xf32, #tpu.memory_space<hbm>> -> memref<128x64xf32, #tpu.memory_space<hbm>>
    %dma_wait3A_143 = tpu.memref_slice %arg8[%dma_wait3A_136] : memref<10x!tpu.dma_semaphore, #tpu.memory_space<semaphore_mem>> -> memref<1x!tpu.dma_semaphore, #tpu.memory_space<semaphore_mem>>
    %dma_wait3A_144 = tpu.memref_squeeze %dma_wait3A_143 : memref<1x!tpu.dma_semaphore, #tpu.memory_space<semaphore_mem>> -> memref<!tpu.dma_semaphore, #tpu.memory_space<semaphore_mem>>
    %dma_wait3A_145 = arith.constant 0 : i32
    %dma_wait3A_146 = tpu.memref_slice %arg4[%mul3A_2, %dma_wait3A_145] : memref<819200x64xf32, #tpu.memory_space<hbm>> -> memref<128x64xf32, #tpu.memory_space<hbm>>
    %dma_wait3A_147 = arith.constant 0 : i32
    %dma_wait3A_148 = arith.constant 0 : i32
    %dma_wait3A_149 = tpu.memref_slice %arg6[%dma_wait3A_135, %dma_wait3A_147, %dma_wait3A_148] : memref<10x128x64xf32, #tpu.memory_space<vmem>> -> memref<1x128x64xf32, #tpu.memory_space<vmem>>
    %dma_wait3A_150 = tpu.memref_squeeze %dma_wait3A_149 : memref<1x128x64xf32, #tpu.memory_space<vmem>> -> memref<128x64xf32, #tpu.memory_space<vmem>>
    tpu.wait_dma2 semaphore(%dma_wait3A_144 : memref<!tpu.dma_semaphore, #tpu.memory_space<semaphore_mem>>) src(%dma_wait3A_150 : memref<128x64xf32, #tpu.memory_space<vmem>>) dst(%dma_wait3A_146 : memref<128x64xf32, #tpu.memory_space<hbm>>)
    %dma_wait3A_151 = arith.constant 9 : i32
    %dma_wait3A_152 = arith.constant 9 : i32
    %dma_wait3A_153 = arith.constant 0 : i32
    %dma_wait3A_154 = arith.constant 0 : i32
    %dma_wait3A_155 = tpu.memref_slice %arg6[%dma_wait3A_151, %dma_wait3A_153, %dma_wait3A_154] : memref<10x128x64xf32, #tpu.memory_space<vmem>> -> memref<1x128x64xf32, #tpu.memory_space<vmem>>
    %dma_wait3A_156 = tpu.memref_squeeze %dma_wait3A_155 : memref<1x128x64xf32, #tpu.memory_space<vmem>> -> memref<128x64xf32, #tpu.memory_space<vmem>>
    %dma_wait3A_157 = arith.constant 0 : i32
    %dma_wait3A_158 = tpu.memref_slice %arg4[%mul3A_2, %dma_wait3A_157] : memref<819200x64xf32, #tpu.memory_space<hbm>> -> memref<128x64xf32, #tpu.memory_space<hbm>>
    %dma_wait3A_159 = tpu.memref_slice %arg8[%dma_wait3A_152] : memref<10x!tpu.dma_semaphore, #tpu.memory_space<semaphore_mem>> -> memref<1x!tpu.dma_semaphore, #tpu.memory_space<semaphore_mem>>
    %dma_wait3A_160 = tpu.memref_squeeze %dma_wait3A_159 : memref<1x!tpu.dma_semaphore, #tpu.memory_space<semaphore_mem>> -> memref<!tpu.dma_semaphore, #tpu.memory_space<semaphore_mem>>
    %dma_wait3A_161 = arith.constant 0 : i32
    %dma_wait3A_162 = tpu.memref_slice %arg4[%mul3A_2, %dma_wait3A_161] : memref<819200x64xf32, #tpu.memory_space<hbm>> -> memref<128x64xf32, #tpu.memory_space<hbm>>
    %dma_wait3A_163 = arith.constant 0 : i32
    %dma_wait3A_164 = arith.constant 0 : i32
    %dma_wait3A_165 = tpu.memref_slice %arg6[%dma_wait3A_151, %dma_wait3A_163, %dma_wait3A_164] : memref<10x128x64xf32, #tpu.memory_space<vmem>> -> memref<1x128x64xf32, #tpu.memory_space<vmem>>
    %dma_wait3A_166 = tpu.memref_squeeze %dma_wait3A_165 : memref<1x128x64xf32, #tpu.memory_space<vmem>> -> memref<128x64xf32, #tpu.memory_space<vmem>>
    tpu.wait_dma2 semaphore(%dma_wait3A_160 : memref<!tpu.dma_semaphore, #tpu.memory_space<semaphore_mem>>) src(%dma_wait3A_166 : memref<128x64xf32, #tpu.memory_space<vmem>>) dst(%dma_wait3A_162 : memref<128x64xf32, #tpu.memory_space<hbm>>)
    return
  }
}

</mosaic_0001>

<sc_bundles>
// kernel: kernel.3.cloned.1.call-start
scs
__scs_entry_jumppad:
0x0: {  	(pc) =	sbr.rel $0x88, $3  }
0x1: {  	(tag) =	ssettag $0x0;
	lr =	simm.s32 $0x1  }
0x2: {  	[smem:$0x3F9F] =	sst lr;
	_ =	strace $0xD0000000  }
0x3: {  	_ = 	snop  }
0x4: {  	_ = 	snop  }
0x5: {  	_ = 	snop  }
0x6: {  	_ = 	snop  }
0x7: {  	_ = 	snop  }
__scs_overlays_trampoline_lowered:
0x8: {  	[smem:$0x3FAE] =	sst s0  }
0x9: {  	[smem:$0x3FAF] =	sst s1  }
0xa: {  	[smem:$0x3FB0] =	sst s2  }
0xb: {  	[smem:$0x3FB1] =	sst s3  }
0xc: {  	[smem:$0x3FB2] =	sst s4  }
0xd: {  	[smem:$0x3FB3] =	sst s5  }
0xe: {  	[smem:$0x3FB4] =	sst s6  }
0xf: {  	[smem:$0x3FB5] =	sst s7  }
0x10: {  	[smem:$0x3FB6] =	sst s8  }
0x11: {  	[smem:$0x3FB7] =	sst s9;
	s0 =	simm.s32 @!p0 $0x0  }
0x12: {  	s1 =	sld [smem:$0x3F9D];
	s0 =	simm.s32 @p0 $0x1  }
0x13: {  	[smem:$0x3FB8] =	sst s0;
	s0 =	simm.s32 @!p1 $0x0  }
0x14: {  	s2 =	sld [smem:$0x3F9C];
	s0 =	simm.s32 @p1 $0x1  }
0x15: {  	[smem:$0x3FB9] =	sst s0;
	s0 =	simm.s32 @!p2 $0x0  }
0x16: {  	s3 =	sld [smem:$0x3FDB];
	s0 =	simm.s32 @p2 $0x1  }
0x17: {  	s4 =	simm.s32 $0x1BF5;
	[smem:$0x3FBB] =	sst s0  }
0x18: {  	s0 =	sld [smem:$0x3F9E];
	_ =	swait.ge [sflag:s4], $0x0  }
0x19: {  	s7 =	sld [smem:$0x3F9F]  }
0x1a: {  	s8 =	sadd.s32 $0xFFFFE003, lr  }
0x1b: {  	s9 =	sadd.s32 $0xFFFFFEF7, lr;
	s5 =	simm.s32 $0xFFFFFFFF;
	p2 =	slt.u32 s8, $0xFFFFF086  }
0x1c: {  	p1 =	slt.u32 s9, $0xF7A;
	s5 =	simm.s32 @!p2 $0x0  }
0x1d: {  	s5 =	simm.s32 @p1 $0x1;
	p0 =	seq.s32 s7, s2  }
0x1e: {  	s7 =	smul.u32 @!p0 $0xF7A, s2;
	p2 =	seq.s32 @!p0 s5, $0x0  }
0x1f: {  	s9 =	smul.u32 $0xF7A, s1;
	s8 =	simm.s32 @!p0 $0x1BF5;
	p2 =	por !p2, p0  }
0x20: {  	[sflag:s8] =	ssyncset.s32 @!p0 $0xFFFFF086;
	s6 =	sadd.s32 @!p0 s3, s7;
	s7 =	simm.s32 @!p0 $0x108  }
0x21: {  	s3 =	sadd.s32 s3, s9;
	s6 =	sadd.s32 @!p0 $0x88, s6;
	s7 =	simm.s32 @p2 $0x1082  }
0x22: {  	[simem:s7], [sflag:s8] =	dma.local @!p0 [hbm:s6], $0xF7A  }
0x23: {  	s9 =	sor.u32 $0xD0000000, s2;
	s6 =	simm.s32 $0x108;
	_ =	swait.ge @!p0 [sflag:s8], $0x0  }
0x24: {  	s3 =	sadd.s32 $0x88, s3;
	s6 =	simm.s32 @!p1 $0x1082;
	[sflag:s4] =	ssyncset.s32 $0xFFFFF086  }
0x25: {  	[simem:s6], [sflag:s4] =	dma.local [hbm:s3], $0xF7A  }
0x26: {  	[smem:$0x3F9F] =	sst s1;
	(tag) =	ssettag s2;
	_ =	strace s9  }
0x27: {  	s1 =	sld [smem:$0x3FAF]  }
0x28: {  	s2 =	sld [smem:$0x3FB0]  }
0x29: {  	s4 =	sld [smem:$0x3FB2]  }
0x2a: {  	p0 =	seq.s32 s5, $0x0;
	s5 =	sld [smem:$0x3FB3]  }
0x2b: {  	s6 =	sld [smem:$0x3FB4]  }
0x2c: {  	s7 =	sld [smem:$0x3FB5]  }
0x2d: {  	s3 =	simm.s32 $0x108;
	s8 =	sld [smem:$0x3FB6]  }
0x2e: {  	s3 =	simm.s32 @!p0 $0x1082;
	s9 =	sld [smem:$0x3FB7]  }
0x2f: {  	lr =	sadd.s32 s0, s3;
	s0 =	sld [smem:$0x3FAE]  }
0x30: {  	s3 =	sld [smem:$0x3FB1]  }
0x31: {  	[smem:$0x3FBA] =	sst s10  }
0x32: {  	s10 =	sld [smem:$0x3FB8];
	_ =	sdelay $0x3  }
0x33: {  	p0 =	seq.s32 s10, $0x1;
	s10 =	sld [smem:$0x3FBA];
	_ =	sdelay $0x3  }
0x34: {  	[smem:$0x3FBA] =	sst s10  }
0x35: {  	s10 =	sld [smem:$0x3FB9];
	_ =	sdelay $0x3  }
0x36: {  	p1 =	seq.s32 s10, $0x1;
	s10 =	sld [smem:$0x3FBA];
	_ =	sdelay $0x3  }
0x37: {  	[smem:$0x3FBA] =	sst s10  }
0x38: {  	s10 =	sld [smem:$0x3FBB]  }
0x39: {  	_ = 	snop;
	(pc) =	sbr.ind lr, $3  }
0x3a: {  	_ = 	snop  }
0x3b: {  	_ = 	snop  }
0x3c: {  	p2 =	seq.s32 s10, $0x1;
	s10 =	sld [smem:$0x3FBA]  }
0x3d: {  	_ =	shalt  }
0x3e: {  	_ =	shalt  }
0x3f: {  	_ =	shalt  }
0x40: {  	_ =	shalt  }
0x41: {  	_ =	shalt  }
0x42: {  	_ =	shalt  }
0x43: {  	_ =	shalt  }
0x44: {  	_ =	shalt  }
0x45: {  	_ =	shalt  }
0x46: {  	_ =	shalt  }
0x47: {  	_ =	shalt  }
0x48: {  	_ =	shalt  }
0x49: {  	_ =	shalt  }
0x4a: {  	_ =	shalt  }
0x4b: {  	_ =	shalt  }
0x4c: {  	_ =	shalt  }
0x4d: {  	_ =	shalt  }
0x4e: {  	_ =	shalt  }
0x4f: {  	_ =	shalt  }
0x50: {  	_ =	shalt  }
0x51: {  	_ =	shalt  }
0x52: {  	_ =	shalt  }
0x53: {  	_ =	shalt  }
0x54: {  	_ =	shalt  }
0x55: {  	_ =	shalt  }
0x56: {  	_ =	shalt  }
0x57: {  	_ =	shalt  }
0x58: {  	_ =	shalt  }
0x59: {  	_ =	shalt  }
0x5a: {  	_ =	shalt  }
0x5b: {  	_ =	shalt  }
0x5c: {  	_ =	shalt  }
0x5d: {  	_ =	shalt  }
0x5e: {  	_ =	shalt  }
0x5f: {  	_ =	shalt  }
0x60: {  	_ =	shalt  }
0x61: {  	_ =	shalt  }
0x62: {  	_ =	shalt  }
0x63: {  	_ =	shalt  }
0x64: {  	_ =	shalt  }
0x65: {  	_ =	shalt  }
0x66: {  	_ =	shalt  }
0x67: {  	_ =	shalt  }
0x68: {  	_ =	shalt  }
0x69: {  	_ =	shalt  }
0x6a: {  	_ =	shalt  }
0x6b: {  	_ =	shalt  }
0x6c: {  	_ =	shalt  }
0x6d: {  	_ =	shalt  }
0x6e: {  	_ =	shalt  }
0x6f: {  	_ =	shalt  }
0x70: {  	_ =	shalt  }
0x71: {  	_ =	shalt  }
0x72: {  	_ =	shalt  }
0x73: {  	_ =	shalt  }
0x74: {  	_ =	shalt  }
0x75: {  	_ =	shalt  }
0x76: {  	_ =	shalt  }
0x77: {  	_ =	shalt  }
0x78: {  	_ =	shalt  }
0x79: {  	_ =	shalt  }
0x7a: {  	_ =	shalt  }
0x7b: {  	_ =	shalt  }
0x7c: {  	_ =	shalt  }
0x7d: {  	_ =	shalt  }
0x7e: {  	_ =	shalt  }
0x7f: {  	_ =	shalt  }
0x80: {  	_ =	shalt  }
0x81: {  	_ =	shalt  }
0x82: {  	_ =	shalt  }
0x83: {  	_ =	shalt  }
0x84: {  	_ =	shalt  }
0x85: {  	_ =	shalt  }
0x86: {  	_ =	shalt  }
0x87: {  	_ =	shalt  }
.Lfunc_end0:
.L_simem_size_0:
called_computation.1_lowered:
.L_overlay_start_0:
0x88: {  	s2 =	sld [smem:$0x3FD9]  }
0x89: {  	s3 =	sld [smem:$0x3FFE];
	_ =	sdelay $0x1  }
0x8a: {  	s1 =	srdreg.scid  }
0x8b: {  	s0 =	sand.u32 $0x1, s1  }
0x8c: {  	s17 =	sshll.u32 s0, $0xA;
	s2 =	sadd.s32 s3, s2  }
0x8d: {  	s2 =	sadd.s32 s2, s17  }
0x8e: {  	[smem:$0x3FC6] =	sst s2  }
0x8f: {  	_ = 	snop  }
0x90: {  	s2 =	sld [smem:$0x3FD0];
	(tm) =	ssettm $0x1  }
0x91: {  	s18 =	sld [smem:$0x3FFB];
	_ =	sdelay $0x3  }
0x92: {  	_ =	strace s18  }
0x93: {  	s3 =	sld [smem:$0x3FFC];
	_ =	sdelay $0x3  }
0x94: {  	_ =	strace s3  }
0x95: {  	s3 =	sld [smem:$0x3FFD];
	_ =	sdelay $0x3  }
0x96: {  	_ =	strace s3  }
0x97: {  	_ =	strace $0x8FFFFFFF  }
0x98: {  	s19 =	sld [smem:$0x3FDB];
	_ =	sdelay $0x1  }
0x99: {  	s4 =	simm.s32 $_scs_section_size  }
0x9a: {  	s5 =	simm.s32 $_size__tile_overlayer_lowered;
	s6 =	simm.s32 $_tile_overlayer_lowered  }
0x9b: {  	s22 =	simm.s32 $0x1BFF;
	s21 =	sshll.u32 s6, $0x1;
	s3 =	sadd.s32 s4, s19  }
0x9c: {  	s7 =	simm.s32 $0x0;
	s20 =	sshll.u32 s5, $0x1;
	s5 =	sadd.s32 s21, s3  }
0x9d: {  	[timem:s7], [sflag:s22] =	dma.local [hbm:s5], s20  }
0x9e: {  	_ =	swait.ge [sflag:s22], s20  }
0x9f: {  	s4 =	ssub.s32 $0x0, s20;
	[sflag:s22] =	ssyncset.done $0x0  }
0xa0: {  	[sflag:s22] =	ssyncadd.s32 s4;
	_ =	sdelay $0x1  }
0xa1: {  	s23 =	simm.s32 $0x1B8B  }
0xa2: {  	_ =	swait.ge [sflag:s23], $0x1  }
0xa3: {  	[sflag:s23] =	ssyncset.done $0x0  }
0xa4: {  	s25 =	simm.s32 $0x1B8E;
	s24 =	sld [smem:$0x3FFE];
	[sflag:s23] =	ssyncadd.s32 $0xFFFFFFFF  }
0xa5: {  	s26 =	simm.s32 $execute0_lowered;
	[smem:$0x3FD2] =	sst s25  }
0xa6: {  	s5 =	sshll.u32 s26, $0x1;
	_ =	strace $0x80000046;
	[dreg:$0x1] =	wrdreg $0xFFFFFFFF  }
0xa7: {  	s28 =	simm.s32 $_size_execute0_lowered;
	s3 =	sadd.s32 s3, s5;
	[dreg:$0x0] =	wrdreg $0x0  }
0xa8: {  	s5 =	sshll.u32 s28, $0x1;
	[dreg:$0x2] =	wrdreg s3  }
0xa9: {  	[dreg:$0x3] =	wrdreg s5  }
0xaa: {  	[dreg:$0x4] =	wrdreg $0xC0  }
0xab: {  	_ =	task [dreg:s7], $0x5FFFF  }
0xac: {  	[dreg:$0x1] =	wrdreg $0xFFFFFFFF  }
0xad: {  	[dreg:$0x0] =	wrdreg $0x60  }
0xae: {  	[dreg:$0x2] =	wrdreg s24  }
0xaf: {  	[dreg:$0x3] =	wrdreg s2  }
0xb0: {  	[dreg:$0x4] =	wrdreg $0x9  }
0xb1: {  	_ =	task.clear_ibuf [dreg:s7], $0x5FFFF;
	_ =	strace $0x90000046  }
0xb2: {  	s29 =	simm.s32 $0x9;
	_ =	strace $0x80000048  }
0xb3: {  	_ =	swait.ge [sflag:s29], $0x1  }
0xb4: {  	[sflag:s29] =	ssyncadd.s32 $0xFFFFFFFF  }
0xb5: {  	_ =	strace $0x90000048  }
0xb6: {  	_ =	sfence  }
0xb7: {  	s30 =	sld [smem:$0x0];
	_ =	sdelay $0x2  }
0xb8: {  	s31 =	sshll.u32 s1, $0xD;
	s1 =	sshrl.u32 s1, $0x2  }
0xb9: {  	s3 =	sand.u32 $0x4000, s31;
	s1 =	sadd.s32 s1, s30  }
0xba: {  	s0 =	sor.u32 s3, s0;
	s1 =	sshll.u32 s1, $0x11  }
0xbb: {  	s0 =	sor.u32 s1, s0  }
0xbc: {  	s0 =	sadd.s32 $0x8F2B, s0  }
0xbd: {  	[sflag:s0] =	ssyncadd.remote.s32 $0x1  }
0xbe: {  	_ =	sfence.sel $0xFFFF  }
0xbf: {  	[dreg:$0x0] =	wrdreg $0xFFFFFFFF;
	(pc) =	sbr.abs _section_cstart, $3  }
0xc0: {  	[dreg:$0x1] =	wrdreg $0xFFFFFFFF  }
0xc1: {  	_ =	task.clear_ibuf [dreg:s7], $0x2FFFF;
	_ =	strace $0x9FFFFFFF  }
0xc2: {  	(tm) =	ssettm $0x7FFFFFFF  }
0xc3: {  	_ =	shalt  }
tec
execute0_lowered:
.L_overlay_start_1:
0x0: {  	(tag) =	ssettag $0x1  }
0x1: {  	s0 =	srdreg.scid;
	s5 =	rddreg [dreg:$0x0]  }
0x2: {  	s1 =	stileid.u32;
	s2 =	rddreg [dreg:$0x1];
	s4 =	simm.s32 $0x0  }
0x3: {  	s9 =	simm.s32 $0xA400;
	s10 =	simm.s32 $0xC400;
	s11 =	simm.s32 $0xE400  }
0x4: {  	s12 =	simm.s32 $0x10400;
	s13 =	simm.s32 $0x12400;
	s14 =	simm.s32 $0x14400  }
0x5: {  	s17 =	simm.s32 $0x16400;
	s18 =	simm.s32 $0x80;
	s28 =	simm.s32 $0x8  }
0x6: {  	s29 =	simm.s32 $0x9;
	s0 =	sand.u32 $0x1, s0;
	s1 =	sshll.u32 s1, $0x1  }
0x7: {  	s30 =	simm.s32 $0xA;
	s8 =	simm.s32 $0x0;
	s1 =	sor.u32 s0, s1  }
0x8: {  	s25 =	simm.s32 $0x18400;
	s0 =	ssub.s32 $0x2, s0;
	s3 =	smul.u32 $0x6400, s1  }
.Ltmp0:
0x9: {  	s26 =	simm.s32 $0x1;
	s6 =	sshrl.u32 s0, $0x1;
	(pc) =	sbr.rel .LBB2_1-.Ltmp0, $4  }
0xa: {  	[smem:$0x7FF] =	sst s4;
	s0 =	ssub.s32 s0, s6;
	s1 =	sshrl.u32 s3, $0x3  }
0xb: {  	_ =	strace $0x80000047;
	s0 =	smax.u32 s0, $0x1;
	s1 =	sadd.s32 s1, s5  }
0xc: {  	s6 =	simm.s32 $0x8400;
	[dreg:$0x4] =	wrdreg s0;
	s1 =	sadd.s32 $0xA00, s1  }
0xd: {  	s5 =	sadd.s32 $0xF42E00, s5;
	[dreg:$0x3] =	wrdreg s1;
	s1 =	simm.s32 $0x6400  }
.LBB2_6:
0xe: {  	s0 =	simm.s32 $0xB  }
0xf: {  	_ =	swait.ge [sflag:s0], $0x2000  }
0x10: {  	[sflag:s0] =	ssyncset.done $0x0  }
0x11: {  	s15 =	simm.s32 $0xC;
	[sflag:s0] =	ssyncadd.s32 $0xFFFFE000  }
0x12: {  	_ =	swait.ge [sflag:s15], $0x2000  }
0x13: {  	[sflag:s15] =	ssyncset.done $0x0  }
0x14: {  	s16 =	simm.s32 $0xD;
	[sflag:s15] =	ssyncadd.s32 $0xFFFFE000  }
0x15: {  	_ =	swait.ge [sflag:s16], $0x2000  }
0x16: {  	[sflag:s16] =	ssyncset.done $0x0  }
0x17: {  	s19 =	simm.s32 $0xE;
	[sflag:s16] =	ssyncadd.s32 $0xFFFFE000  }
0x18: {  	_ =	swait.ge [sflag:s19], $0x2000  }
0x19: {  	[sflag:s19] =	ssyncset.done $0x0  }
0x1a: {  	s20 =	simm.s32 $0xF;
	[sflag:s19] =	ssyncadd.s32 $0xFFFFE000  }
0x1b: {  	_ =	swait.ge [sflag:s20], $0x2000  }
0x1c: {  	[sflag:s20] =	ssyncset.done $0x0  }
0x1d: {  	s21 =	simm.s32 $0x10;
	[sflag:s20] =	ssyncadd.s32 $0xFFFFE000  }
0x1e: {  	_ =	swait.ge [sflag:s21], $0x2000  }
0x1f: {  	[sflag:s21] =	ssyncset.done $0x0  }
0x20: {  	s22 =	simm.s32 $0x11;
	[sflag:s21] =	ssyncadd.s32 $0xFFFFE000  }
0x21: {  	_ =	swait.ge [sflag:s22], $0x2000  }
0x22: {  	[sflag:s22] =	ssyncset.done $0x0  }
0x23: {  	s23 =	simm.s32 $0x12;
	[sflag:s22] =	ssyncadd.s32 $0xFFFFE000  }
0x24: {  	_ =	swait.ge [sflag:s23], $0x2000  }
0x25: {  	[sflag:s23] =	ssyncset.done $0x0  }
0x26: {  	s24 =	simm.s32 $0x13;
	[sflag:s23] =	ssyncadd.s32 $0xFFFFE000  }
0x27: {  	_ =	swait.ge [sflag:s24], $0x2000  }
0x28: {  	[sflag:s24] =	ssyncset.done $0x0  }
0x29: {  	s7 =	simm.s32 $0x14;
	[sflag:s24] =	ssyncadd.s32 $0xFFFFE000  }
0x2a: {  	_ =	swait.ge [sflag:s7], $0x2000  }
0x2b: {  	s8 =	rddreg [dreg:$0x5]  }
0x2c: {  	s31 =	rddreg [dreg:$0x4];
	s8 =	sadd.s32 $0x1, s8  }
0x2d: {  	p0 =	sne.s32 s8, s31  }
.Ltmp1:
0x2e: {  	_ = 	snop;
	(pc) =	sbr.rel @!p0 .LBB2_7-.Ltmp1, $3  }
0x2f: {  	_ =	sdelay $0x1  }
0x30: {  	[sflag:s7] =	ssyncset.done $0x0  }
0x31: {  	[sflag:s7] =	ssyncadd.s32 $0xFFFFE000  }
.LBB2_1:
0x32: {  	[dreg:$0x5] =	wrdreg s8  }
.Ltmp2:
0x33: {  	s0 =	rddreg [dreg:$0x3];
	s31 =	simm.s32 $0x15;
	(pc) =	sbr.rel .LBB2_2-.Ltmp2, $4  }
0x34: {  	[tilespmem:s4], [sflag:$0x15] =	stream.linear.gather [hbm4b:s0+s4], $0x6400, $0x38;
	[tilespmem:$0x1A400] =	vst v63  }
0x35: {  	_ =	swait.ge [sflag:s31], $0x6400  }
0x36: {  	[sflag:s31] =	ssyncset.done $0x0  }
0x37: {  	s7 =	simm.s32 $0x400;
	s8 =	simm.s32 $0x0;
	[sflag:s31] =	ssyncadd.s32 $0xFFFF9C00  }
.LBB2_4:
0x38: {  	s0 =	simm.s32 $0xB  }
0x39: {  	_ =	swait.ge [sflag:s0], $0x2000  }
0x3a: {  	[sflag:s0] =	ssyncset.done $0x0  }
0x3b: {  	s21 =	simm.s32 $0xC;
	[sflag:s0] =	ssyncadd.s32 $0xFFFFE000  }
0x3c: {  	[tilespmem:s1], [sflag:$0x1] =	stream.indirect.gather [hbm4b:s5+s18], $0x40, s8, s18, $0xb8;
	[tilespmem:$0x1A400] =	vst v63  }
0x3d: {  	_ =	swait.ge [sflag:s21], $0x2000  }
0x3e: {  	[sflag:s21] =	ssyncset.done $0x0  }
0x3f: {  	s22 =	sadd.s32 $0x80, s8;
	s23 =	simm.s32 $0xD;
	[sflag:s21] =	ssyncadd.s32 $0xFFFFE000  }
0x40: {  	[tilespmem:s6], [sflag:$0x2] =	stream.indirect.gather [hbm4b:s5+s18], $0x40, s22, s18, $0xb8;
	[tilespmem:$0x1A400] =	vst v63  }
0x41: {  	_ =	swait.ge [sflag:s23], $0x2000  }
0x42: {  	[sflag:s23] =	ssyncset.done $0x0  }
0x43: {  	s24 =	sadd.s32 $0x100, s8;
	s31 =	simm.s32 $0xE;
	[sflag:s23] =	ssyncadd.s32 $0xFFFFE000  }
0x44: {  	[tilespmem:s9], [sflag:$0x3] =	stream.indirect.gather [hbm4b:s5+s18], $0x40, s24, s18, $0xb8;
	[tilespmem:$0x1A400] =	vst v63  }
0x45: {  	_ =	swait.ge [sflag:s31], $0x2000  }
0x46: {  	[sflag:s31] =	ssyncset.done $0x0  }
0x47: {  	s1 =	sadd.s32 $0x180, s8;
	s6 =	simm.s32 $0xF;
	[sflag:s31] =	ssyncadd.s32 $0xFFFFE000  }
0x48: {  	[tilespmem:s10], [sflag:$0x4] =	stream.indirect.gather [hbm4b:s5+s18], $0x40, s1, s18, $0xb8;
	[tilespmem:$0x1A400] =	vst v63  }
0x49: {  	_ =	swait.ge [sflag:s6], $0x2000  }
0x4a: {  	[sflag:s6] =	ssyncset.done $0x0  }
0x4b: {  	s9 =	sadd.s32 $0x200, s8;
	s10 =	simm.s32 $0x10;
	[sflag:s6] =	ssyncadd.s32 $0xFFFFE000  }
0x4c: {  	[tilespmem:s11], [sflag:$0x5] =	stream.indirect.gather [hbm4b:s5+s18], $0x40, s9, s18, $0xb8;
	[tilespmem:$0x1A400] =	vst v63  }
0x4d: {  	_ =	swait.ge [sflag:s10], $0x2000  }
0x4e: {  	[sflag:s10] =	ssyncset.done $0x0  }
0x4f: {  	s15 =	simm.s32 $0x11;
	s11 =	sadd.s32 $0x280, s8;
	[sflag:s10] =	ssyncadd.s32 $0xFFFFE000  }
0x50: {  	[tilespmem:s12], [sflag:$0x6] =	stream.indirect.gather [hbm4b:s5+s18], $0x40, s11, s18, $0xb8;
	[tilespmem:$0x1A400] =	vst v63  }
0x51: {  	s16 =	sadd.s32 $0x300, s8;
	s19 =	simm.s32 $0x12;
	_ =	swait.ge [sflag:s15], $0x2000  }
0x52: {  	s20 =	sadd.s32 $0x380, s8;
	s0 =	sadd.s32 $0xFFFFFF80, s7;
	[sflag:s15] =	ssyncset.done $0x0  }
0x53: {  	s21 =	simm.s32 $0x13;
	s22 =	simm.s32 $0x12400;
	[sflag:s15] =	ssyncadd.s32 $0xFFFFE000  }
0x54: {  	[tilespmem:s13], [sflag:$0x7] =	stream.indirect.gather [hbm4b:s5+s18], $0x40, s16, s18, $0xb8;
	[tilespmem:$0x1A400] =	vst v63  }
0x55: {  	s23 =	simm.s32 $0x14400;
	s24 =	sadd.s32 $0x400, s8;
	_ =	swait.ge [sflag:s19], $0x2000  }
0x56: {  	s31 =	simm.s32 $0x14;
	s1 =	smov.u32 s7;
	[sflag:s19] =	ssyncset.done $0x0  }
0x57: {  	s6 =	sadd.s32 $0xFFFFFF00, s7;
	s9 =	sadd.s32 $0xFFFFFE80, s7;
	[sflag:s19] =	ssyncadd.s32 $0xFFFFE000  }
0x58: {  	[tilespmem:s14], [sflag:$0x8] =	stream.indirect.gather [hbm4b:s5+s18], $0x40, s20, s18, $0xb8;
	[tilespmem:$0x1A400] =	vst v63  }
0x59: {  	s10 =	sadd.s32 $0xFFFFFE00, s7;
	s12 =	sadd.s32 $0xFFFFFD00, s7;
	_ =	swait.ge [sflag:s21], $0x2000  }
0x5a: {  	s11 =	sadd.s32 $0xFFFFFD80, s7;
	s15 =	simm.s32 $0x6400;
	[sflag:s21] =	ssyncset.done $0x0  }
0x5b: {  	s16 =	simm.s32 $0x8400;
	s13 =	sadd.s32 $0xFFFFFC80, s7;
	[sflag:s21] =	ssyncadd.s32 $0xFFFFE000  }
0x5c: {  	[tilespmem:s17], [sflag:$0x9] =	stream.indirect.gather [hbm4b:s5+s18], $0x40, s24, s18, $0xb8;
	[tilespmem:$0x1A400] =	vst v63  }
0x5d: {  	s19 =	simm.s32 $0xC400;
	s14 =	sadd.s32 $0xFFFFFC00, s7;
	_ =	swait.ge [sflag:s31], $0x2000  }
0x5e: {  	s20 =	simm.s32 $0xE400;
	s21 =	simm.s32 $0x10400;
	[sflag:s31] =	ssyncset.done $0x0  }
0x5f: {  	s24 =	simm.s32 $0x16400;
	s17 =	simm.s32 $0xA400;
	[sflag:s31] =	ssyncadd.s32 $0xFFFFE000  }
.LBB2_5:
0x60: {  	s31 =	sadd.s32 $0x480, s14;
	s14 =	sadd.s32 s3, s14  }
0x61: {  	[tilespmem:s25], [sflag:$0xA] =	stream.indirect.gather [hbm4b:s5+s18], $0x40, s31, s18, $0xb8;
	[tilespmem:$0x1A400] =	vst v63  }
0x62: {  	s14 =	sshll.u32 s14, $0x3;
	_ =	swait.ge [sflag:s26], $0x2000  }
0x63: {  	s14 =	sand.u32 $0x1FFFF800, s14;
	[sflag:s26] =	ssyncset.done $0x0  }
0x64: {  	s14 =	sadd.s32 s2, s14;
	[sflag:s26] =	ssyncadd.s32 $0xFFFFE000  }
0x65: {  	[hbm4b:s14+s4] =	stream.linear.scatter [tilespmem:s15], [sflag:$0xB], $0x2000, $0x38;
	[tilespmem:$0x1A400] =	vst v63  }
0x66: {  	s13 =	sadd.s32 s3, s13;
	s15 =	simm.s32 $0x2  }
0x67: {  	s13 =	sshll.u32 s13, $0x3;
	_ =	swait.ge [sflag:s15], $0x2000  }
0x68: {  	s13 =	sand.u32 $0x1FFFFC00, s13;
	[sflag:s15] =	ssyncset.done $0x0  }
0x69: {  	s13 =	sadd.s32 s2, s13;
	[sflag:s15] =	ssyncadd.s32 $0xFFFFE000  }
0x6a: {  	[hbm4b:s13+s4] =	stream.linear.scatter [tilespmem:s16], [sflag:$0xC], $0x2000, $0x38;
	[tilespmem:$0x1A400] =	vst v63  }
0x6b: {  	s12 =	sadd.s32 s3, s12;
	s16 =	simm.s32 $0x3  }
0x6c: {  	s12 =	sshll.u32 s12, $0x3;
	_ =	swait.ge [sflag:s16], $0x2000  }
0x6d: {  	s12 =	sand.u32 $0x1FFFF800, s12;
	[sflag:s16] =	ssyncset.done $0x0  }
0x6e: {  	s12 =	sadd.s32 s2, s12;
	[sflag:s16] =	ssyncadd.s32 $0xFFFFE000  }
0x6f: {  	[hbm4b:s12+s4] =	stream.linear.scatter [tilespmem:s17], [sflag:$0xD], $0x2000, $0x38;
	[tilespmem:$0x1A400] =	vst v63  }
0x70: {  	s11 =	sadd.s32 s3, s11;
	s17 =	simm.s32 $0x4  }
0x71: {  	s11 =	sshll.u32 s11, $0x3;
	_ =	swait.ge [sflag:s17], $0x2000  }
0x72: {  	s11 =	sand.u32 $0x1FFFFC00, s11;
	[sflag:s17] =	ssyncset.done $0x0  }
0x73: {  	s11 =	sadd.s32 s2, s11;
	[sflag:s17] =	ssyncadd.s32 $0xFFFFE000  }
0x74: {  	[hbm4b:s11+s4] =	stream.linear.scatter [tilespmem:s19], [sflag:$0xE], $0x2000, $0x38;
	[tilespmem:$0x1A400] =	vst v63  }
0x75: {  	s10 =	sadd.s32 s3, s10;
	s19 =	simm.s32 $0x5  }
0x76: {  	s10 =	sshll.u32 s10, $0x3;
	_ =	swait.ge [sflag:s19], $0x2000  }
0x77: {  	s10 =	sand.u32 $0x1FFFF800, s10;
	[sflag:s19] =	ssyncset.done $0x0  }
0x78: {  	s10 =	sadd.s32 s2, s10;
	[sflag:s19] =	ssyncadd.s32 $0xFFFFE000  }
0x79: {  	[hbm4b:s10+s4] =	stream.linear.scatter [tilespmem:s20], [sflag:$0xF], $0x2000, $0x38;
	[tilespmem:$0x1A400] =	vst v63  }
0x7a: {  	s9 =	sadd.s32 s3, s9;
	s20 =	simm.s32 $0x6  }
0x7b: {  	s9 =	sshll.u32 s9, $0x3;
	_ =	swait.ge [sflag:s20], $0x2000  }
0x7c: {  	s9 =	sand.u32 $0x1FFFFC00, s9;
	[sflag:s20] =	ssyncset.done $0x0  }
0x7d: {  	s9 =	sadd.s32 s2, s9;
	[sflag:s20] =	ssyncadd.s32 $0xFFFFE000  }
0x7e: {  	[hbm4b:s9+s4] =	stream.linear.scatter [tilespmem:s21], [sflag:$0x10], $0x2000, $0x38;
	[tilespmem:$0x1A400] =	vst v63  }
0x7f: {  	s6 =	sadd.s32 s3, s6;
	s21 =	simm.s32 $0x7  }
0x80: {  	s6 =	sshll.u32 s6, $0x3;
	_ =	swait.ge [sflag:s21], $0x2000  }
0x81: {  	s6 =	sand.u32 $0x1FFFF800, s6;
	[sflag:s21] =	ssyncset.done $0x0  }
0x82: {  	s0 =	sadd.s32 s3, s0;
	s6 =	sadd.s32 s2, s6;
	[sflag:s21] =	ssyncadd.s32 $0xFFFFE000  }
0x83: {  	[hbm4b:s6+s4] =	stream.linear.scatter [tilespmem:s22], [sflag:$0x11], $0x2000, $0x38;
	[tilespmem:$0x1A400] =	vst v63  }
0x84: {  	s7 =	sadd.s32 $0x500, s7;
	s0 =	sshll.u32 s0, $0x3;
	_ =	swait.ge [sflag:s28], $0x2000  }
0x85: {  	s8 =	sadd.s32 $0x500, s8;
	s0 =	sand.u32 $0x1FFFFC00, s0;
	[sflag:s28] =	ssyncset.done $0x0  }
0x86: {  	s31 =	sadd.s32 s3, s31;
	s0 =	sadd.s32 s2, s0;
	[sflag:s28] =	ssyncadd.s32 $0xFFFFE000  }
0x87: {  	[hbm4b:s0+s4] =	stream.linear.scatter [tilespmem:s23], [sflag:$0x12], $0x2000, $0x38;
	[tilespmem:$0x1A400] =	vst v63  }
0x88: {  	p0 =	sne.s32 s7, $0x6800;
	s14 =	simm.s32 $0x14400;
	s23 =	sadd.s32 s3, s1  }
0x89: {  	s13 =	simm.s32 $0x12400;
	_ =	swait.ge [sflag:s29], $0x2000;
	s0 =	sshll.u32 s23, $0x3  }
0x8a: {  	s12 =	simm.s32 $0x10400;
	[sflag:s29] =	ssyncset.done $0x0;
	s0 =	sand.u32 $0x1FFFF800, s0  }
0x8b: {  	s17 =	simm.s32 $0x16400;
	[sflag:s29] =	ssyncadd.s32 $0xFFFFE000;
	s0 =	sadd.s32 s2, s0  }
0x8c: {  	[hbm4b:s0+s4] =	stream.linear.scatter [tilespmem:s24], [sflag:$0x13], $0x2000, $0x38;
	[tilespmem:$0x1A400] =	vst v63  }
.Ltmp3:
0x8d: {  	s11 =	simm.s32 $0xE400;
	s10 =	simm.s32 $0xC400;
	(pc) =	sbr.rel @!p0 .LBB2_6-.Ltmp3, $4  }
0x8e: {  	s9 =	simm.s32 $0xA400;
	s0 =	sshll.u32 s31, $0x3;
	_ =	swait.ge [sflag:s30], $0x2000  }
0x8f: {  	s6 =	simm.s32 $0x8400;
	s0 =	sand.u32 $0x1FFFFC00, s0;
	[sflag:s30] =	ssyncset.done $0x0  }
0x90: {  	s1 =	simm.s32 $0x6400;
	s0 =	sadd.s32 s2, s0;
	[sflag:s30] =	ssyncadd.s32 $0xFFFFE000  }
0x91: {  	[hbm4b:s0+s4] =	stream.linear.scatter [tilespmem:s25], [sflag:$0x14], $0x2000, $0x38;
	[tilespmem:$0x1A400] =	vst v63  }
.LBB2_2:
0x92: {  	p0 =	sne.s32 s7, $0x400  }
.Ltmp4:
0x93: {  	_ = 	snop;
	(pc) =	sbr.rel @p0 .LBB2_4-.Ltmp4, $1  }
0x94: {  	_ =	sdelay $0x3  }
0x95: {  	s13 =	simm.s32 $0x80;
	s15 =	simm.s32 $0x6400;
	s14 =	simm.s32 $0x0  }
0x96: {  	[tilespmem:s15], [sflag:$0x1] =	stream.indirect.gather [hbm4b:s5+s13], $0x40, s14, s13, $0xb8;
	[tilespmem:$0x1A400] =	vst v63  }
0x97: {  	s16 =	simm.s32 $0x8400  }
0x98: {  	[tilespmem:s16], [sflag:$0x2] =	stream.indirect.gather [hbm4b:s5+s13], $0x40, s13, s13, $0xb8;
	[tilespmem:$0x1A400] =	vst v63  }
0x99: {  	s17 =	simm.s32 $0xA400;
	s12 =	simm.s32 $0x100  }
0x9a: {  	[tilespmem:s17], [sflag:$0x3] =	stream.indirect.gather [hbm4b:s5+s13], $0x40, s12, s13, $0xb8;
	[tilespmem:$0x1A400] =	vst v63  }
0x9b: {  	s19 =	simm.s32 $0xC400;
	s11 =	simm.s32 $0x180  }
0x9c: {  	[tilespmem:s19], [sflag:$0x4] =	stream.indirect.gather [hbm4b:s5+s13], $0x40, s11, s13, $0xb8;
	[tilespmem:$0x1A400] =	vst v63  }
0x9d: {  	s20 =	simm.s32 $0xE400;
	s10 =	simm.s32 $0x200  }
0x9e: {  	[tilespmem:s20], [sflag:$0x5] =	stream.indirect.gather [hbm4b:s5+s13], $0x40, s10, s13, $0xb8;
	[tilespmem:$0x1A400] =	vst v63  }
0x9f: {  	s21 =	simm.s32 $0x10400;
	s9 =	simm.s32 $0x280  }
0xa0: {  	[tilespmem:s21], [sflag:$0x6] =	stream.indirect.gather [hbm4b:s5+s13], $0x40, s9, s13, $0xb8;
	[tilespmem:$0x1A400] =	vst v63  }
0xa1: {  	s22 =	simm.s32 $0x12400;
	s6 =	simm.s32 $0x300  }
0xa2: {  	[tilespmem:s22], [sflag:$0x7] =	stream.indirect.gather [hbm4b:s5+s13], $0x40, s6, s13, $0xb8;
	[tilespmem:$0x1A400] =	vst v63  }
.Ltmp5:
0xa3: {  	_ = 	snop;
	(pc) =	sbr.rel .LBB2_5-.Ltmp5, $4  }
0xa4: {  	s23 =	simm.s32 $0x14400;
	s0 =	simm.s32 $0x380  }
0xa5: {  	[tilespmem:s23], [sflag:$0x8] =	stream.indirect.gather [hbm4b:s5+s13], $0x40, s0, s13, $0xb8;
	[tilespmem:$0x1A400] =	vst v63  }
0xa6: {  	s24 =	simm.s32 $0x16400;
	s1 =	simm.s32 $0x400  }
0xa7: {  	[tilespmem:s24], [sflag:$0x9] =	stream.indirect.gather [hbm4b:s5+s13], $0x40, s1, s13, $0xb8;
	[tilespmem:$0x1A400] =	vst v63  }
.LBB2_7:
0xa8: {  	_ =	sfence.sel $0x180000  }
0xa9: {  	[bflag:$0x0] =	sbarrier.arrive $0xFFFF  }
0xaa: {  	_ =	strace $0x90000047  }
0xab: {  	s0 =	stileid.u32;
	[bflag:$0x2] =	sbarrier.arrive $0xFFFF  }
0xac: {  	p0 =	sne.s32 s0, $0x0;
	s0 =	rddreg [dreg:$0x2]  }
0xad: {  	s0 =	sadd.s32 @!p0 $0x100000, s0  }
0xae: {  	[sflag:s0] =	ssyncadd.tile.s32 @!p0 $0x1;
	_ =	shalt  }
.Lfunc_end2:
_tile_overlayer_lowered:
.L_overlay_start_2:
0xaf: {  	(tag) =	ssettag $0x2  }
0xb0: {  	s0 =	rddreg [dreg:$0x0];
	s2 =	stileid.u32  }
0xb1: {  	s1 =	rddreg [dreg:$0x1];
	p0 =	sne.s32 s2, $0x0  }
0xb2: {  	s3 =	rddreg [dreg:$0x2];
	[bflag:$0x3] =	sbarrier.arrive $0xFFFF;
	s2 =	simm.s32 @!p0 $0x1C15  }
0xb3: {  	[timem:s3], [sflag:s2] =	dma.local @!p0 [hbm:s0], s1  }
0xb4: {  	s0 =	simm.s32 @!p0 $0x15  }
0xb5: {  	_ =	swait.ge @!p0 [sflag:s0], s1  }
0xb6: {  	s1 =	ssub.s32 @!p0 $0x0, s1;
	[sflag:s0] =	ssyncset.done @!p0 $0x0  }
0xb7: {  	[sflag:s0] =	ssyncadd.s32 @!p0 s1  }
0xb8: {  	[bflag:$0x3] =	sbarrier.arrive $0xFFFF  }
0xb9: {  	_ =	shalt  }

// kernel: sparse-core-data-format-call.cloned.1.call-start
scs
called_computation_lowered:
.L_overlay_start_0:
0x0: {  	s2 =	sld [smem:$0x3FD9]  }
0x1: {  	s3 =	sld [smem:$0x3FFE];
	_ =	sdelay $0x1  }
0x2: {  	s1 =	srdreg.scid  }
0x3: {  	s0 =	sand.u32 $0x1, s1  }
0x4: {  	s18 =	sshll.u32 s0, $0xA;
	s2 =	sadd.s32 s3, s2  }
0x5: {  	s2 =	sadd.s32 s2, s18  }
0x6: {  	[smem:$0x3FC6] =	sst s2  }
0x7: {  	_ = 	snop  }
0x8: {  	s2 =	sld [smem:$0x3FD0];
	(tm) =	ssettm $0x1  }
0x9: {  	s19 =	sld [smem:$0x3FFB];
	_ =	sdelay $0x3  }
0xa: {  	_ =	strace s19  }
0xb: {  	s3 =	sld [smem:$0x3FFC];
	_ =	sdelay $0x3  }
0xc: {  	_ =	strace s3  }
0xd: {  	s3 =	sld [smem:$0x3FFD];
	_ =	sdelay $0x3  }
0xe: {  	_ =	strace s3  }
0xf: {  	_ =	strace $0x8FFFFFFF  }
0x10: {  	s20 =	sld [smem:$0x3FDB];
	_ =	sdelay $0x1  }
0x11: {  	s4 =	simm.s32 $_scs_section_size  }
0x12: {  	s5 =	simm.s32 $_size__tile_overlayer_lowered;
	s6 =	simm.s32 $_tile_overlayer_lowered  }
0x13: {  	s23 =	simm.s32 $0x1BFF;
	s22 =	sshll.u32 s6, $0x1;
	s3 =	sadd.s32 s4, s20  }
0x14: {  	s7 =	simm.s32 $0x0;
	s21 =	sshll.u32 s5, $0x1;
	s5 =	sadd.s32 s22, s3  }
0x15: {  	[timem:s7], [sflag:s23] =	dma.local [hbm:s5], s21  }
0x16: {  	_ =	swait.ge [sflag:s23], s21  }
0x17: {  	s4 =	ssub.s32 $0x0, s21;
	[sflag:s23] =	ssyncset.done $0x0  }
0x18: {  	[sflag:s23] =	ssyncadd.s32 s4;
	_ =	sdelay $0x1  }
0x19: {  	s24 =	simm.s32 $0x1B8B  }
0x1a: {  	_ =	swait.ge [sflag:s24], $0x1  }
0x1b: {  	[sflag:s24] =	ssyncset.done $0x0  }
0x1c: {  	s26 =	simm.s32 $0x1B8E;
	s25 =	sld [smem:$0x3FFE];
	[sflag:s24] =	ssyncadd.s32 $0xFFFFFFFF  }
0x1d: {  	s27 =	simm.s32 $execute0_lowered;
	[smem:$0x3FD2] =	sst s26  }
0x1e: {  	s5 =	sshll.u32 s27, $0x1;
	_ =	strace $0x80000049;
	[dreg:$0x1] =	wrdreg $0xFFFFFFFF  }
0x1f: {  	s28 =	simm.s32 $_size_execute0_lowered;
	s3 =	sadd.s32 s3, s5;
	[dreg:$0x0] =	wrdreg $0x0  }
0x20: {  	s5 =	sshll.u32 s28, $0x1;
	[dreg:$0x2] =	wrdreg s3  }
0x21: {  	[dreg:$0x3] =	wrdreg s5  }
0x22: {  	[dreg:$0x4] =	wrdreg $0xC0  }
0x23: {  	_ =	task [dreg:s7], $0x5FFFF  }
0x24: {  	[dreg:$0x1] =	wrdreg $0xFFFFFFFF  }
0x25: {  	[dreg:$0x0] =	wrdreg $0x60  }
0x26: {  	[dreg:$0x2] =	wrdreg s25  }
0x27: {  	[dreg:$0x3] =	wrdreg s2  }
0x28: {  	[dreg:$0x4] =	wrdreg $0x9  }
0x29: {  	_ =	task.clear_ibuf [dreg:s7], $0x5FFFF;
	_ =	strace $0x90000049  }
0x2a: {  	s29 =	simm.s32 $0x9;
	_ =	strace $0x8000004B  }
0x2b: {  	_ =	swait.ge [sflag:s29], $0x1  }
0x2c: {  	[sflag:s29] =	ssyncadd.s32 $0xFFFFFFFF  }
0x2d: {  	_ =	strace $0x9000004B  }
0x2e: {  	_ =	sfence  }
0x2f: {  	s30 =	sld [smem:$0x0];
	_ =	sdelay $0x2  }
0x30: {  	s31 =	sshll.u32 s1, $0xD;
	s1 =	sshrl.u32 s1, $0x2  }
0x31: {  	s3 =	sand.u32 $0x4000, s31;
	s1 =	sadd.s32 s1, s30  }
0x32: {  	s0 =	sor.u32 s3, s0;
	s1 =	sshll.u32 s1, $0x11  }
0x33: {  	s0 =	sor.u32 s1, s0  }
0x34: {  	s0 =	sadd.s32 $0x8F2B, s0  }
0x35: {  	[sflag:s0] =	ssyncadd.remote.s32 $0x1  }
0x36: {  	_ =	sfence.sel $0xFFFF  }
0x37: {  	[dreg:$0x0] =	wrdreg $0xFFFFFFFF;
	(pc) =	sbr.abs _section_cstart, $3  }
0x38: {  	[dreg:$0x1] =	wrdreg $0xFFFFFFFF  }
0x39: {  	_ =	task.clear_ibuf [dreg:s7], $0x2FFFF;
	_ =	strace $0x9FFFFFFF  }
0x3a: {  	(tm) =	ssettm $0x7FFFFFFF  }
0x3b: {  	_ =	shalt  }
tec
execute0_lowered:
.L_overlay_start_1:
0x0: {  	(tag) =	ssettag $0x1  }
0x1: {  	s0 =	srdreg.scid  }
0x2: {  	s1 =	sshll.u32 s0, $0x4  }
0x3: {  	s0 =	stileid.u32;
	s1 =	sand.u32 $0x10, s1  }
0x4: {  	s1 =	sor.u32 s0, s1  }
0x5: {  	s6 =	rddreg [dreg:$0x0];
	s4 =	simm.s32 $0x1;
	s2 =	sshll.u32 s1, $0x7  }
0x6: {  	s7 =	simm.s32 $0x2;
	s12 =	simm.s32 $0x0;
	s1 =	ssub.s32 $0x4000, s2  }
0x7: {  	s8 =	simm.s32 $0x20000;
	s13 =	simm.s32 $0x0;
	s3 =	sand.u32 $0xF80, s1  }
0x8: {  	s9 =	simm.s32 $0x0;
	s5 =	sshrl.u32 s1, $0xC;
	p0 =	sne.s32 s3, $0x0  }
.Ltmp0:
0x9: {  	s1 =	rddreg [dreg:$0x2];
	s4 =	simm.s32 @!p0 $0x0;
	(pc) =	sbr.rel .LBB1_1-.Ltmp0, $4  }
0xa: {  	s11 =	simm.s32 $0x0;
	s3 =	rddreg [dreg:$0x1];
	s5 =	sadd.s32 s4, s5  }
0xb: {  	_ =	strace $0x8000004A;
	s4 =	simm.s32 $0x1;
	s5 =	smul.u32 $0x32, s5  }
0xc: {  	s6 =	sadd.s32 $0xA00, s6;
	s10 =	smov.u32 s2;
	[sflag:s4] =	ssyncpa.u1 $0x0  }
0xd: {  	p0 =	por $0x0, $0x0;
	[sflag:s7] =	ssyncpa.u1 $0x0;
	s7 =	sor.u32 $0x1, s5  }
.LBB1_4:
0xe: {  	s16 =	sshll.u32 s13, $0x3;
	s17 =	sand.u32 $0x78, s13  }
0xf: {  	s30 =	sand.u32 $0x1F800, s13;
	s12 =	sshll.u32 s12, $0x11;
	s16 =	sand.u32 $0x3C00, s16  }
0x10: {  	[tilespmem:s15+$0x810 ss:$0x81] =	vst.msk $0xffff, v2;
	s31 =	sand.u32 $0x7, s13;
	s16 =	sor.u32 s17, s16;
	s17 =	sadd.s32 s3, s30  }
0x11: {  	[tilespmem:s15+$0x1020 ss:$0x81] =	vst.msk $0xffff, v0;
	s13 =	sshll.u32 s31, $0x12;
	s12 =	sadd.s32 s12, s17;
	s16 =	sshrl.u32 s16, $0x3  }
0x12: {  	[tilespmem:s15+$0x0 ss:$0x81] =	vst.msk $0xffff, v1;
	s13 =	sor.u32 $0x400, s13;
	s12 =	sadd.s32 s16, s12  }
0x13: {  	[hbm4b:s12+s13] =	stream.strided.scatter [tilespmem:s14], [sflag:$0x2], $0x2000, s8, s13, $0x20;
	[tilespmem:$0x8080] =	vst v63  }
.LBB1_5:
0x14: {  	s14 =	sadd.s32 $0x1, s9  }
0x15: {  	s12 =	sadd.s32 $0x1000, s10;
	s16 =	smov.u32 s10;
	p2 =	sgt.s32 s14, $0x31  }
0x16: {  	s16 =	smov.u32 @p2 s12  }
0x17: {  	s14 =	simm.s32 @p2 $0x0;
	p2 =	sgt.s32 s16, $0x3FFF  }
0x18: {  	s16 =	smov.u32 @p2 s2;
	p2 =	sne.s32 s11, s7  }
.Ltmp1:
0x19: {  	p1 =	slt.u32 s11, $0x2;
	(pc) =	sbr.rel @!p2 .LBB1_6-.Ltmp1, $4  }
0x1a: {  	s15 =	simm.s32 @!p1 $0x2  }
0x1b: {  	s13 =	smov.u32 s10;
	p0 =	por !p0, !p0;
	_ =	swait.ge @!p1 [sflag:s15], $0x2000  }
0x1c: {  	s12 =	smov.u32 s9;
	[sflag:s15] =	ssyncset.done @!p1 $0x0;
	s9 =	smov.u32 s14  }
0x1d: {  	s11 =	sadd.s32 $0x1, s11;
	[sflag:s15] =	ssyncadd.s32 @!p1 $0xFFFFE000;
	s10 =	smov.u32 s16  }
.LBB1_1:
0x1e: {  	p1 =	sge.u32 s11, s5  }
0x1f: {  	s14 =	sand.u32 @!p1 $0x1FFFFFF, s9  }
0x20: {  	s15 =	smulhi.u32 @!p1 $0x4924925, s14;
	_ =	sdelay $0x1  }
0x21: {  	s15 =	smul.u32 @!p1 $0x38, s15  }
0x22: {  	s16 =	sxor.u32 @!p1 $0xFFFFFFFF, s11;
	s17 =	smul.u32 @!p1 $0x380, s10  }
0x23: {  	s31 =	sadd.s32 $0xFFFFFFFF, s11;
	s16 =	sshll.u32 @!p1 s16, $0xD;
	s14 =	ssub.s32 @!p1 s14, s15  }
0x24: {  	s15 =	sand.u32 @!p1 $0x2000, s16;
	s16 =	sadd.s32 @!p1 s6, s17;
	s14 =	sshll.u32 @!p1 s14, $0x4  }
0x25: {  	s17 =	simm.s32 @!p1 $0x1C00;
	s14 =	sadd.s32 @!p1 s14, s16;
	s16 =	simm.s32 @!p1 $0x40  }
0x26: {  	[tilespmem:s15], [sflag:$0x1] =	stream.strided.gather @!p1 [hbm4b:s14+s16], $0x2000, s17, s16, $0x38;
	[tilespmem:$0x8080] =	vst v63  }
0x27: {  	p1 =	sge.u32 s31, s5  }
.Ltmp2:
0x28: {  	_ = 	snop;
	(pc) =	sbr.rel @p1 .LBB1_5-.Ltmp2, $1  }
0x29: {  	_ =	sdelay $0x3  }
0x2a: {  	s14 =	simm.s32 $0x1  }
0x2b: {  	_ =	swait.ge [sflag:s4], $0x2000;
	s14 =	simm.s32 @!p0 $0x0  }
0x2c: {  	[sflag:s4] =	ssyncset.done $0x0;
	s15 =	sshll.u32 s14, $0xD  }
0x2d: {  	[sflag:s4] =	ssyncadd.s32 $0xFFFFE000;
	s18 =	sor.u32 $0x20, s15  }
0x2e: {  	s14 =	smul.u32 $0x8100, s14;
	v3 =	vld [tilespmem:s18+$0x10]  }
0x2f: {  	s30 =	sand.u32 $0x1, s11;
	v2 =	vld [tilespmem:s18+$0xFFFFFFF0]  }
0x30: {  	s15 =	smul.u32 $0x8100, s30;
	s14 =	sshrl.u32 s14, $0x2;
	v0 =	vld [tilespmem:s18+$0x0]  }
0x31: {  	v1 =	vld [tilespmem:s18+$0xFFFFFFE0];
	s16 =	sor.u32 $0x4000, s14  }
0x32: {  	s31 =	sshrl.u32 s15, $0x2;
	s15 =	sadd.s32 $0x0, s16  }
0x33: {  	s17 =	simm.s32 $0x4;
	s18 =	sadd.s32 $0x40, s18;
	s14 =	sor.u32 $0x4000, s31;
	[tilespmem:s15+$0x1830 ss:$0x81] =	vst.msk $0xffff, v3  }
.LBB1_3:
0x34: {  	v3 =	vld [tilespmem:s18+$0x10];
	p1 =	sne.s32 s17, $0x1FC;
	[tilespmem:s15+$0x810 ss:$0x81] =	vst.msk $0xffff, v2;
	s19 =	smov.u32 s17;
	s17 =	sadd.s32 $0x4, s17  }
.Ltmp3:
0x35: {  	v2 =	vld [tilespmem:s18+$0xFFFFFFF0];
	[tilespmem:s15+$0x1020 ss:$0x81] =	vst.msk $0xffff, v0;
	(pc) =	sbr.rel @p1 .LBB1_3-.Ltmp3, $4  }
0x36: {  	v0 =	vld [tilespmem:s18+$0x0];
	[tilespmem:s15+$0x0 ss:$0x81] =	vst.msk $0xffff, v1  }
0x37: {  	s15 =	sshra.s32 s19, $0x2;
	v1 =	vld [tilespmem:s18+$0xFFFFFFE0]  }
0x38: {  	s15 =	sadd.s32 s15, s16  }
0x39: {  	s18 =	sadd.s32 $0x40, s18;
	[tilespmem:s15+$0x1830 ss:$0x81] =	vst.msk $0xffff, v3  }
.Ltmp4:
0x3a: {  	_ = 	snop;
	(pc) =	sbr.rel .LBB1_4-.Ltmp4, $1  }
0x3b: {  	_ =	sdelay $0x3  }
.LBB1_6:
0x3c: {  	_ =	sfence.sel $0x180000  }
0x3d: {  	s2 =	simm.s32 $0x1;
	[bflag:$0x0] =	sbarrier.arrive $0xFFFF  }
0x3e: {  	s31 =	simm.s32 $0x2;
	[sflag:s2] =	ssyncpa.u1 $0x1  }
0x3f: {  	[sflag:s31] =	ssyncpa.u1 $0x1  }
0x40: {  	p0 =	sne.s32 s0, $0x0;
	_ =	strace $0x9000004A  }
0x41: {  	s0 =	sadd.s32 @!p0 $0x100000, s1;
	[bflag:$0x2] =	sbarrier.arrive $0xFFFF  }
0x42: {  	[sflag:s0] =	ssyncadd.tile.s32 @!p0 $0x1;
	_ =	shalt  }
.Lfunc_end1:
_tile_overlayer_lowered:
.L_overlay_start_2:
0x43: {  	(tag) =	ssettag $0x2  }
0x44: {  	s0 =	rddreg [dreg:$0x0];
	s2 =	stileid.u32  }
0x45: {  	s1 =	rddreg [dreg:$0x1];
	p0 =	sne.s32 s2, $0x0  }
0x46: {  	s3 =	rddreg [dreg:$0x2];
	[bflag:$0x3] =	sbarrier.arrive $0xFFFF;
	s2 =	simm.s32 @!p0 $0x1C01  }
0x47: {  	[timem:s3], [sflag:s2] =	dma.local @!p0 [hbm:s0], s1  }
0x48: {  	s0 =	simm.s32 @!p0 $0x1  }
0x49: {  	_ =	swait.ge @!p0 [sflag:s0], s1  }
0x4a: {  	s1 =	ssub.s32 @!p0 $0x0, s1;
	[sflag:s0] =	ssyncset.done @!p0 $0x0  }
0x4b: {  	[sflag:s0] =	ssyncadd.s32 @!p0 s1  }
0x4c: {  	[bflag:$0x3] =	sbarrier.arrive $0xFFFF  }
0x4d: {  	_ =	shalt  }

</sc_bundles>
